<compile_context>
chip_gen: v7x
topology: tpu7x:2x2x1
jax: 0.10.2.dev20260603
libtpu: 0.0.44.dev20260713+nightly
codegen_flags: <defaults>
</compile_context>

<pallas_src>
import functools

import jax
import jax.numpy as jnp
import numpy as np
from jax import lax
from jax.experimental import pallas as pl
from jax.experimental.pallas import tpu as pltpu
from jax.experimental.pallas import tpu_sc as plsc

_H = 256
_W = 256
_RADIUS = 1.5
_WAVELENGTH = 0.1

_NC = 2
_NS = 16
_NW = _NC * _NS
_BI = 128
_NB = 128
_CHUNK = _NB * _BI
_NPAD = _NW * _CHUNK
_SBB = 32
_NSB = _NB // _SBB
_SB = _SBB * _BI
_SEG = (_H * _W) // _NS
_TCB = 4


def _tc_body(rx_ref, tx_ref, mx, my, mz, c0, c1, c2, c3, c4, c5, sr, si, att,
             rad, re_o, im_o, idx_o):
    dx = mx[...] - rx_ref[0]
    dy = my[...] - rx_ref[1]
    dz = mz[...] - rx_ref[2]
    d_rx = jnp.sqrt(dx * dx + dy * dy + dz * dz)
    keep = (d_rx > _RADIUS).astype(jnp.float32)

    ex = mx[...] - tx_ref[0]
    ey = my[...] - tx_ref[1]
    ez = mz[...] - tx_ref[2]
    d_tx = jnp.sqrt(ex * ex + ey * ey + ez * ez)
    total = d_rx + d_tx

    amp = jnp.exp(-att[...] * total) / jnp.maximum(total, 1e-6)
    phase = 2.0 * np.pi * total / _WAVELENGTH
    c = jnp.cos(phase)
    s = jnp.sin(phase)

    ssq = (c0[...] * c0[...] + c1[...] * c1[...] + c2[...] * c2[...] +
           c3[...] * c3[...] + c4[...] * c4[...] + c5[...] * c5[...])
    w = jnp.exp(-0.5 * ssq / (rad[...] * rad[...] + 1e-6))
    akw = amp * keep * w

    re_o[...] = akw * (sr[...] * c - si[...] * s)
    im_o[...] = akw * (sr[...] * s + si[...] * c)

    az = jnp.arctan2(dy, dx)
    zr = jnp.clip(dz / jnp.maximum(d_rx, 1e-6), -1.0, 1.0)
    el = jnp.arctan2(zr, jnp.sqrt(jnp.maximum(1.0 - zr * zr, 0.0)))
    u = jnp.clip(((az + np.pi) / (2.0 * np.pi) * _W).astype(jnp.int32),
                 0, _W - 1)
    v = jnp.clip(((el + np.pi / 2.0) / np.pi * _H).astype(jnp.int32),
                 0, _H - 1)
    idx_o[...] = v * _W + u


def _tc_stage(rx, tx, cols):
    ispec = pl.BlockSpec((_TCB, _NB, _BI), lambda i: (i, 0, 0))
    sspec = pl.BlockSpec(memory_space=pltpu.SMEM)
    return pl.pallas_call(
        _tc_body,
        grid=(_NW // _TCB,),
        in_specs=[sspec, sspec] + [ispec] * 13,
        out_specs=[ispec, ispec, ispec],
        out_shape=[
            jax.ShapeDtypeStruct((_NW, _NB, _BI), jnp.float32),
            jax.ShapeDtypeStruct((_NW, _NB, _BI), jnp.float32),
            jax.ShapeDtypeStruct((_NW, _NB, _BI), jnp.int32),
        ],
        compiler_params=pltpu.CompilerParams(
            dimension_semantics=("parallel",)),
    )(rx, tx, *cols)


def _sc_scatter(idx3, re3, im3, zeros_img):
    mesh = plsc.VectorSubcoreMesh(core_axis_name="c", subcore_axis_name="s")

    @functools.partial(
        pl.kernel,
        out_type=jax.ShapeDtypeStruct((_NC, 2 * _H * _W), jnp.float32),
        mesh=mesh,
        scratch_types=[
            pltpu.VMEM((_NB, _BI), jnp.int32),
            pltpu.VMEM((_NB, _BI), jnp.float32),
            pltpu.VMEM((_NB, _BI), jnp.float32),
            pltpu.VMEM((_SB, 8), jnp.float32),
            pltpu.VMEM((2 * _SEG,), jnp.float32),
            pltpu.VMEM_SHARED((_H * _W, 8), jnp.float32),
        ],
        compiler_params=pltpu.CompilerParams(use_tc_tiling_on_sc=False,
                                             needs_layout_passes=False),
    )
    def k(idx_hbm, re_hbm, im_hbm, z_hbm, out_hbm, idx_v, re_v, im_v, ctr_v,
          pk_v, img_sh):
        cid = lax.axis_index("c")
        sid = lax.axis_index("s")
        wid = cid * _NS + sid
        pltpu.sync_copy(z_hbm.at[pl.ds(sid * _SEG, _SEG)],
                        img_sh.at[pl.ds(sid * _SEG, _SEG)])
        pltpu.sync_copy(idx_hbm.at[wid], idx_v)
        pltpu.sync_copy(re_hbm.at[wid], re_v)
        pltpu.sync_copy(im_hbm.at[wid], im_v)
        pltpu.sync_copy(z_hbm.at[pl.ds(0, _SB)], ctr_v)
        plsc.subcore_barrier()

        lanes = lax.iota(jnp.int32, 16)
        col0 = jnp.zeros((16,), jnp.int32)
        col1 = col0 + 1

        def super_batch(sb, carry):
            def ileave(t, c2):
                r = t // 8
                c = (t % 8) * 16
                re16 = re_v[sb * _SBB + r, pl.ds(c, 16)]
                im16 = im_v[sb * _SBB + r, pl.ds(c, 16)]
                rowi = r * _BI + c + lanes
                plsc.store_scatter(ctr_v, [rowi, col0], re16)
                plsc.store_scatter(ctr_v, [rowi, col1], im16)
                return c2

            lax.fori_loop(0, _SBB * 8, ileave, 0)

            def scat(t, c2):
                pltpu.sync_copy(ctr_v.at[pl.ds(t * _BI, _BI)],
                                img_sh.at[idx_v.at[sb * _SBB + t]], add=True)
                return c2

            lax.fori_loop(0, _SBB, scat, 0)
            return carry

        lax.fori_loop(0, _NSB, super_batch, 0)
        plsc.subcore_barrier()

        pltpu.sync_copy(img_sh.at[pl.ds(sid * _SEG, _SEG)], ctr_v)

        def pack(t, c2):
            rowi = 8 * t + lanes // 2
            coli = lanes % 2
            vals = plsc.load_gather(ctr_v, [rowi, coli])
            pk_v[pl.ds(t * 16, 16)] = vals
            return c2

        lax.fori_loop(0, _SEG // 8, pack, 0)
        pltpu.sync_copy(pk_v, out_hbm.at[cid, pl.ds(sid * 2 * _SEG, 2 * _SEG)])

    return k(idx3, re3, im3, zeros_img)


def kernel(means_3d, cov3d_precomp, signal_precomp, attenuation, gaus_radii,
           rx_pos, tx_pos, bg):
    n = means_3d.shape[0]
    pad = _NPAD - n

    def col(a):
        return jnp.pad(a, (0, pad)).reshape(_NW, _NB, _BI)

    cols = (
        [col(means_3d[:, i]) for i in range(3)]
        + [col(cov3d_precomp[:, i]) for i in range(6)]
        + [col(signal_precomp[:, i]) for i in range(2)]
        + [col(attenuation), col(gaus_radii)]
    )
    re, im, idx = _tc_stage(rx_pos, tx_pos, cols)

    zeros_img = jnp.zeros((_H * _W, 8), jnp.float32)
    partial = _sc_scatter(idx, re, im, zeros_img)
    img = (partial[0] + partial[1]).reshape(_H * _W, 2)
    return img.reshape(_H, _W, 2) + bg[None, None, :]

# --- scband reference (transcript-rebuilt; emitter-appended) ---
"""Pipeline reference for scband-complex-gaussian-tracer-25151328485676 (READ-ONLY COPY).

The authoritative reference and input builder live on the scoring server;
editing this copy changes nothing except your own understanding.
"""

import jax, jax.numpy as jnp
import numpy as np

H = 256
W = 256
RADIUS_RX = 1.0
SCALE_DIS = 1.5
WAVELENGTH = 0.1
N = 500000


def setup_inputs(seed: int = 0) -> dict:
    key = jax.random.key(seed)
    k1, k2, k3, k4, k5 = jax.random.split(key, 5)
    means_3d = jax.random.normal(k1, (N, 3), dtype=jnp.float32) * 10.0
    cov3d_precomp = jax.random.uniform(k2, (N, 6), dtype=jnp.float32)
    signal_precomp = jax.random.normal(k3, (N, 2), dtype=jnp.float32)
    attenuation = jax.random.uniform(k4, (N,), dtype=jnp.float32)
    gaus_radii = jax.random.uniform(k5, (N,), dtype=jnp.float32) * 0.5 + 0.1
    rx_pos = jnp.zeros((3,), dtype=jnp.float32)
    tx_pos = jnp.array([5.0, 0.0, 0.0], dtype=jnp.float32)
    bg = jnp.zeros((2,), dtype=jnp.float32)
    return {
        "means_3d": means_3d,
        "cov3d_precomp": cov3d_precomp,
        "signal_precomp": signal_precomp,
        "attenuation": attenuation,
        "gaus_radii": gaus_radii,
        "rx_pos": rx_pos,
        "tx_pos": tx_pos,
        "bg": bg,
    }


def reference(means_3d, cov3d_precomp, signal_precomp, attenuation, gaus_radii, rx_pos, tx_pos, bg):
    # 1) distance-based culling around the receiver (as in the torch forward),
    #    realized as a multiplicative 0/1 mask so shapes stay static under jit.
    diff = means_3d - rx_pos[None, :]
    dist_rx = jnp.linalg.norm(diff, axis=1)
    keep = (dist_rx > RADIUS_RX * SCALE_DIS).astype(means_3d.dtype)

    # 2) complex gaussian tracing surrogate of _C.tracer_complex_gaussians:
    #    per-gaussian complex contribution = signal * attenuation-decayed
    #    free-space amplitude with propagation phase over the tx->gaussian->rx path,
    #    splatted (scatter-add) onto an HxW angular image around rx.
    dist_tx = jnp.linalg.norm(means_3d - tx_pos[None, :], axis=1)
    total_path = dist_rx + dist_tx
    amp = jnp.exp(-attenuation * total_path) / jnp.maximum(total_path, 1e-6)
    phase = 2.0 * jnp.pi * total_path / WAVELENGTH
    c = jnp.cos(phase)
    s = jnp.sin(phase)
    sr = signal_precomp[:, 0]
    si = signal_precomp[:, 1]
    re = amp * (sr * c - si * s)
    im = amp * (sr * s + si * c)

    # gaussian footprint weight from precomputed covariance + radii
    weight = jnp.exp(-0.5 * jnp.sum(cov3d_precomp ** 2, axis=1) / (gaus_radii ** 2 + 1e-6))

    contrib = jnp.stack([re, im], axis=1) * (keep * weight)[:, None]

    # angular projection onto the rx panorama image
    az = jnp.arctan2(diff[:, 1], diff[:, 0])
    el = jnp.arcsin(jnp.clip(diff[:, 2] / jnp.maximum(dist_rx, 1e-6), -1.0, 1.0))
    u = jnp.clip(((az + jnp.pi) / (2.0 * jnp.pi) * W).astype(jnp.int32), 0, W - 1)
    v = jnp.clip(((el + jnp.pi / 2.0) / jnp.pi * H).astype(jnp.int32), 0, H - 1)

    img = jnp.zeros((H, W, 2), dtype=means_3d.dtype).at[v, u].add(contrib)
    color = img + bg[None, None, :]
    return color

if __name__ == "__main__":
    import jax
    _d = setup_inputs()
    print(jax.jit(kernel)(*tuple(_d.values())))

</pallas_src>

<mosaic_0001>
#map = affine_map<(d0, d1) -> (0, 0, 0)>
#map1 = affine_map<(d0, d1) -> (0, 0)>
module attributes {stable_mosaic.version = 14 : i64} {
  func.func @k(%arg0: i32, %arg1: i32, %arg2: memref<32x128x128xi32, #tpu.memory_space<hbm>>, %arg3: memref<32x128x128xf32, #tpu.memory_space<hbm>>, %arg4: memref<32x128x128xf32, #tpu.memory_space<hbm>>, %arg5: memref<65536x8xf32, #tpu.memory_space<hbm>>, %arg6: memref<2x131072xf32, #tpu.memory_space<hbm>>, %arg7: memref<128x128xi32, #tpu.memory_space<vmem>>, %arg8: memref<128x128xf32, #tpu.memory_space<vmem>>, %arg9: memref<128x128xf32, #tpu.memory_space<vmem>>, %arg10: memref<4096x8xf32, #tpu.memory_space<vmem>>, %arg11: memref<8192xf32, #tpu.memory_space<vmem>>, %arg12: memref<65536x8xf32, #tpu.memory_space<vmem_shared>>) attributes {dimension_semantics = [#tpu.dimension_semantics<core_parallel>, #tpu.dimension_semantics<subcore_parallel>], iteration_bounds = array<i64: 2, 16>, scalar_prefetch = 0 : i64, scratch_operands = 6 : i64, tpu.core_type = #tpu.core_type<sc_vector_subcore>, window_params = [{transform_indices = #map}, {transform_indices = #map}, {transform_indices = #map}, {transform_indices = #map1}, {transform_indices = #map1}]} {
    %mul3A = arith.constant 16 : i32
    %mul3A_0 = arith.muli %arg0, %mul3A : i32
    %add3A = arith.addi %mul3A_0, %arg1 : i32
    %mul3A_1 = arith.constant 4096 : i32
    %mul3A_2 = arith.muli %arg1, %mul3A_1 : i32
    %mul3A_3 = arith.constant 4096 : i32
    %mul3A_4 = arith.muli %arg1, %mul3A_3 : i32
    "tpu.region"() ({
      %run_scoped3A = tpu.sem_alloc : memref<!tpu.dma_semaphore, #tpu.memory_space<semaphore_mem>>
      %dma_start3A = arith.constant 0 : i32
      %dma_start3A_27 = tpu.memref_slice %arg12[%mul3A_4, %dma_start3A] : memref<65536x8xf32, #tpu.memory_space<vmem_shared>> -> memref<4096x8xf32, #tpu.memory_space<vmem_shared>>
      %dma_start3A_28 = arith.constant 0 : i32
      %dma_start3A_29 = tpu.memref_slice %arg5[%mul3A_2, %dma_start3A_28] : memref<65536x8xf32, #tpu.memory_space<hbm>> -> memref<4096x8xf32, #tpu.memory_space<hbm>>
      tpu.enqueue_dma source(%dma_start3A_29 : memref<4096x8xf32, #tpu.memory_space<hbm>>) target(%dma_start3A_27 : memref<4096x8xf32, #tpu.memory_space<vmem_shared>>) target_semaphore(%run_scoped3A : memref<!tpu.dma_semaphore, #tpu.memory_space<semaphore_mem>>)
      %dma_wait3A = arith.constant 0 : i32
      %dma_wait3A_30 = tpu.memref_slice %arg12[%mul3A_4, %dma_wait3A] : memref<65536x8xf32, #tpu.memory_space<vmem_shared>> -> memref<4096x8xf32, #tpu.memory_space<vmem_shared>>
      %dma_wait3A_31 = arith.constant 0 : i32
      %dma_wait3A_32 = tpu.memref_slice %arg5[%mul3A_2, %dma_wait3A_31] : memref<65536x8xf32, #tpu.memory_space<hbm>> -> memref<4096x8xf32, #tpu.memory_space<hbm>>
      tpu.wait_dma2 semaphore(%run_scoped3A : memref<!tpu.dma_semaphore, #tpu.memory_space<semaphore_mem>>) src(%dma_wait3A_32 : memref<4096x8xf32, #tpu.memory_space<hbm>>) dst(%dma_wait3A_30 : memref<4096x8xf32, #tpu.memory_space<vmem_shared>>)
      tpu.yield
    }) : () -> ()
    "tpu.region"() ({
      %run_scoped3A = tpu.sem_alloc : memref<!tpu.dma_semaphore, #tpu.memory_space<semaphore_mem>>
      %dma_start3A = arith.constant 0 : i32
      %dma_start3A_27 = arith.constant 0 : i32
      %dma_start3A_28 = tpu.memref_slice %arg2[%add3A, %dma_start3A, %dma_start3A_27] : memref<32x128x128xi32, #tpu.memory_space<hbm>> -> memref<1x128x128xi32, #tpu.memory_space<hbm>>
      %dma_start3A_29 = tpu.memref_squeeze %dma_start3A_28 : memref<1x128x128xi32, #tpu.memory_space<hbm>> -> memref<128x128xi32, #tpu.memory_space<hbm>>
      %dma_start3A_30 = arith.constant 0 : i32
      %dma_start3A_31 = arith.constant 0 : i32
      %dma_start3A_32 = tpu.memref_slice %arg2[%add3A, %dma_start3A_30, %dma_start3A_31] : memref<32x128x128xi32, #tpu.memory_space<hbm>> -> memref<1x128x128xi32, #tpu.memory_space<hbm>>
      %dma_start3A_33 = tpu.memref_squeeze %dma_start3A_32 : memref<1x128x128xi32, #tpu.memory_space<hbm>> -> memref<128x128xi32, #tpu.memory_space<hbm>>
      tpu.enqueue_dma source(%dma_start3A_33 : memref<128x128xi32, #tpu.memory_space<hbm>>) target(%arg7 : memref<128x128xi32, #tpu.memory_space<vmem>>) target_semaphore(%run_scoped3A : memref<!tpu.dma_semaphore, #tpu.memory_space<semaphore_mem>>)
      %dma_wait3A = arith.constant 0 : i32
      %dma_wait3A_34 = arith.constant 0 : i32
      %dma_wait3A_35 = tpu.memref_slice %arg2[%add3A, %dma_wait3A, %dma_wait3A_34] : memref<32x128x128xi32, #tpu.memory_space<hbm>> -> memref<1x128x128xi32, #tpu.memory_space<hbm>>
      %dma_wait3A_36 = tpu.memref_squeeze %dma_wait3A_35 : memref<1x128x128xi32, #tpu.memory_space<hbm>> -> memref<128x128xi32, #tpu.memory_space<hbm>>
      %dma_wait3A_37 = arith.constant 0 : i32
      %dma_wait3A_38 = arith.constant 0 : i32
      %dma_wait3A_39 = tpu.memref_slice %arg2[%add3A, %dma_wait3A_37, %dma_wait3A_38] : memref<32x128x128xi32, #tpu.memory_space<hbm>> -> memref<1x128x128xi32, #tpu.memory_space<hbm>>
      %dma_wait3A_40 = tpu.memref_squeeze %dma_wait3A_39 : memref<1x128x128xi32, #tpu.memory_space<hbm>> -> memref<128x128xi32, #tpu.memory_space<hbm>>
      tpu.wait_dma2 semaphore(%run_scoped3A : memref<!tpu.dma_semaphore, #tpu.memory_space<semaphore_mem>>) src(%dma_wait3A_40 : memref<128x128xi32, #tpu.memory_space<hbm>>) dst(%arg7 : memref<128x128xi32, #tpu.memory_space<vmem>>)
      tpu.yield
    }) : () -> ()
    "tpu.region"() ({
      %run_scoped3A = tpu.sem_alloc : memref<!tpu.dma_semaphore, #tpu.memory_space<semaphore_mem>>
      %dma_start3A = arith.constant 0 : i32
      %dma_start3A_27 = arith.constant 0 : i32
      %dma_start3A_28 = tpu.memref_slice %arg3[%add3A, %dma_start3A, %dma_start3A_27] : memref<32x128x128xf32, #tpu.memory_space<hbm>> -> memref<1x128x128xf32, #tpu.memory_space<hbm>>
      %dma_start3A_29 = tpu.memref_squeeze %dma_start3A_28 : memref<1x128x128xf32, #tpu.memory_space<hbm>> -> memref<128x128xf32, #tpu.memory_space<hbm>>
      %dma_start3A_30 = arith.constant 0 : i32
      %dma_start3A_31 = arith.constant 0 : i32
      %dma_start3A_32 = tpu.memref_slice %arg3[%add3A, %dma_start3A_30, %dma_start3A_31] : memref<32x128x128xf32, #tpu.memory_space<hbm>> -> memref<1x128x128xf32, #tpu.memory_space<hbm>>
      %dma_start3A_33 = tpu.memref_squeeze %dma_start3A_32 : memref<1x128x128xf32, #tpu.memory_space<hbm>> -> memref<128x128xf32, #tpu.memory_space<hbm>>
      tpu.enqueue_dma source(%dma_start3A_33 : memref<128x128xf32, #tpu.memory_space<hbm>>) target(%arg8 : memref<128x128xf32, #tpu.memory_space<vmem>>) target_semaphore(%run_scoped3A : memref<!tpu.dma_semaphore, #tpu.memory_space<semaphore_mem>>)
      %dma_wait3A = arith.constant 0 : i32
      %dma_wait3A_34 = arith.constant 0 : i32
      %dma_wait3A_35 = tpu.memref_slice %arg3[%add3A, %dma_wait3A, %dma_wait3A_34] : memref<32x128x128xf32, #tpu.memory_space<hbm>> -> memref<1x128x128xf32, #tpu.memory_space<hbm>>
      %dma_wait3A_36 = tpu.memref_squeeze %dma_wait3A_35 : memref<1x128x128xf32, #tpu.memory_space<hbm>> -> memref<128x128xf32, #tpu.memory_space<hbm>>
      %dma_wait3A_37 = arith.constant 0 : i32
      %dma_wait3A_38 = arith.constant 0 : i32
      %dma_wait3A_39 = tpu.memref_slice %arg3[%add3A, %dma_wait3A_37, %dma_wait3A_38] : memref<32x128x128xf32, #tpu.memory_space<hbm>> -> memref<1x128x128xf32, #tpu.memory_space<hbm>>
      %dma_wait3A_40 = tpu.memref_squeeze %dma_wait3A_39 : memref<1x128x128xf32, #tpu.memory_space<hbm>> -> memref<128x128xf32, #tpu.memory_space<hbm>>
      tpu.wait_dma2 semaphore(%run_scoped3A : memref<!tpu.dma_semaphore, #tpu.memory_space<semaphore_mem>>) src(%dma_wait3A_40 : memref<128x128xf32, #tpu.memory_space<hbm>>) dst(%arg8 : memref<128x128xf32, #tpu.memory_space<vmem>>)
      tpu.yield
    }) : () -> ()
    "tpu.region"() ({
      %run_scoped3A = tpu.sem_alloc : memref<!tpu.dma_semaphore, #tpu.memory_space<semaphore_mem>>
      %dma_start3A = arith.constant 0 : i32
      %dma_start3A_27 = arith.constant 0 : i32
      %dma_start3A_28 = tpu.memref_slice %arg4[%add3A, %dma_start3A, %dma_start3A_27] : memref<32x128x128xf32, #tpu.memory_space<hbm>> -> memref<1x128x128xf32, #tpu.memory_space<hbm>>
      %dma_start3A_29 = tpu.memref_squeeze %dma_start3A_28 : memref<1x128x128xf32, #tpu.memory_space<hbm>> -> memref<128x128xf32, #tpu.memory_space<hbm>>
      %dma_start3A_30 = arith.constant 0 : i32
      %dma_start3A_31 = arith.constant 0 : i32
      %dma_start3A_32 = tpu.memref_slice %arg4[%add3A, %dma_start3A_30, %dma_start3A_31] : memref<32x128x128xf32, #tpu.memory_space<hbm>> -> memref<1x128x128xf32, #tpu.memory_space<hbm>>
      %dma_start3A_33 = tpu.memref_squeeze %dma_start3A_32 : memref<1x128x128xf32, #tpu.memory_space<hbm>> -> memref<128x128xf32, #tpu.memory_space<hbm>>
      tpu.enqueue_dma source(%dma_start3A_33 : memref<128x128xf32, #tpu.memory_space<hbm>>) target(%arg9 : memref<128x128xf32, #tpu.memory_space<vmem>>) target_semaphore(%run_scoped3A : memref<!tpu.dma_semaphore, #tpu.memory_space<semaphore_mem>>)
      %dma_wait3A = arith.constant 0 : i32
      %dma_wait3A_34 = arith.constant 0 : i32
      %dma_wait3A_35 = tpu.memref_slice %arg4[%add3A, %dma_wait3A, %dma_wait3A_34] : memref<32x128x128xf32, #tpu.memory_space<hbm>> -> memref<1x128x128xf32, #tpu.memory_space<hbm>>
      %dma_wait3A_36 = tpu.memref_squeeze %dma_wait3A_35 : memref<1x128x128xf32, #tpu.memory_space<hbm>> -> memref<128x128xf32, #tpu.memory_space<hbm>>
      %dma_wait3A_37 = arith.constant 0 : i32
      %dma_wait3A_38 = arith.constant 0 : i32
      %dma_wait3A_39 = tpu.memref_slice %arg4[%add3A, %dma_wait3A_37, %dma_wait3A_38] : memref<32x128x128xf32, #tpu.memory_space<hbm>> -> memref<1x128x128xf32, #tpu.memory_space<hbm>>
      %dma_wait3A_40 = tpu.memref_squeeze %dma_wait3A_39 : memref<1x128x128xf32, #tpu.memory_space<hbm>> -> memref<128x128xf32, #tpu.memory_space<hbm>>
      tpu.wait_dma2 semaphore(%run_scoped3A : memref<!tpu.dma_semaphore, #tpu.memory_space<semaphore_mem>>) src(%dma_wait3A_40 : memref<128x128xf32, #tpu.memory_space<hbm>>) dst(%arg9 : memref<128x128xf32, #tpu.memory_space<vmem>>)
      tpu.yield
    }) : () -> ()
    "tpu.region"() ({
      %run_scoped3A = tpu.sem_alloc : memref<!tpu.dma_semaphore, #tpu.memory_space<semaphore_mem>>
      %dma_start3A = arith.constant 0 : i32
      %dma_start3A_27 = arith.constant 0 : i32
      %dma_start3A_28 = tpu.memref_slice %arg5[%dma_start3A, %dma_start3A_27] : memref<65536x8xf32, #tpu.memory_space<hbm>> -> memref<4096x8xf32, #tpu.memory_space<hbm>>
      %dma_start3A_29 = arith.constant 0 : i32
      %dma_start3A_30 = arith.constant 0 : i32
      %dma_start3A_31 = tpu.memref_slice %arg5[%dma_start3A_29, %dma_start3A_30] : memref<65536x8xf32, #tpu.memory_space<hbm>> -> memref<4096x8xf32, #tpu.memory_space<hbm>>
      tpu.enqueue_dma source(%dma_start3A_31 : memref<4096x8xf32, #tpu.memory_space<hbm>>) target(%arg10 : memref<4096x8xf32, #tpu.memory_space<vmem>>) target_semaphore(%run_scoped3A : memref<!tpu.dma_semaphore, #tpu.memory_space<semaphore_mem>>)
      %dma_wait3A = arith.constant 0 : i32
      %dma_wait3A_32 = arith.constant 0 : i32
      %dma_wait3A_33 = tpu.memref_slice %arg5[%dma_wait3A, %dma_wait3A_32] : memref<65536x8xf32, #tpu.memory_space<hbm>> -> memref<4096x8xf32, #tpu.memory_space<hbm>>
      %dma_wait3A_34 = arith.constant 0 : i32
      %dma_wait3A_35 = arith.constant 0 : i32
      %dma_wait3A_36 = tpu.memref_slice %arg5[%dma_wait3A_34, %dma_wait3A_35] : memref<65536x8xf32, #tpu.memory_space<hbm>> -> memref<4096x8xf32, #tpu.memory_space<hbm>>
      tpu.wait_dma2 semaphore(%run_scoped3A : memref<!tpu.dma_semaphore, #tpu.memory_space<semaphore_mem>>) src(%dma_wait3A_36 : memref<4096x8xf32, #tpu.memory_space<hbm>>) dst(%arg10 : memref<4096x8xf32, #tpu.memory_space<vmem>>)
      tpu.yield
    }) : () -> ()
    %barrier3A = arith.constant 0 : index
    tpu.barrier barrier_id(%barrier3A)
    %iota3A = tpu.iota {dimensions = array<i32: 0>} : vector<16xi32>
    %broadcast_in_dim3A = arith.constant 0 : i32
    %broadcast_in_dim3A_5 = vector.broadcast %broadcast_in_dim3A : i32 to vector<16xi32>
    %add3A_6 = arith.constant 1 : i32
    %add3A_7 = vector.broadcast %add3A_6 : i32 to vector<16xi32>
    %add3A_8 = arith.addi %broadcast_in_dim3A_5, %add3A_7 : vector<16xi32>
    %scan3A = arith.constant 0 : i32
    %scan3A_9 = arith.constant 0 : i32
    %scan3A_10 = arith.constant 4 : i32
    %scan3A_11 = arith.addi %scan3A_9, %scan3A_10 : i32
    %scan3A_12 = arith.constant 1 : i32
    scf.for %scan3A_27 = %scan3A_9 to %scan3A_11 step %scan3A_12  : i32 {
      %scan3A_28 = arith.constant 0 : i32
      %scan3A_29 = arith.constant 0 : i32
      %scan3A_30 = arith.constant 256 : i32
      %scan3A_31 = arith.addi %scan3A_29, %scan3A_30 : i32
      %scan3A_32 = arith.constant 1 : i32
      scf.for %scan3A_40 = %scan3A_29 to %scan3A_31 step %scan3A_32  : i32 {
        %jit3A = arith.constant 8 : i32
        %div3A = arith.divsi %scan3A_40, %jit3A : i32
        %sign3A = arith.constant 0 : i32
        %sign3A_41 = arith.cmpi sgt, %scan3A_40, %sign3A : i32
        %sign3A_42 = arith.extui %sign3A_41 : i1 to i32
        %sign3A_43 = arith.constant 0 : i32
        %sign3A_44 = arith.cmpi slt, %scan3A_40, %sign3A_43 : i32
        %sign3A_45 = arith.extui %sign3A_44 : i1 to i32
        %sign3A_46 = arith.subi %sign3A_42, %sign3A_45 : i32
        %sign3A_47 = arith.constant 0 : i32
        %sign3A_48 = arith.cmpi sgt, %jit3A, %sign3A_47 : i32
        %sign3A_49 = arith.extui %sign3A_48 : i1 to i32
        %sign3A_50 = arith.constant 0 : i32
        %sign3A_51 = arith.cmpi slt, %jit3A, %sign3A_50 : i32
        %sign3A_52 = arith.extui %sign3A_51 : i1 to i32
        %sign3A_53 = arith.subi %sign3A_49, %sign3A_52 : i32
        %ne3A = arith.cmpi ne, %sign3A_46, %sign3A_53 : i32
        %rem3A = arith.remsi %scan3A_40, %jit3A : i32
        %ne3A_54 = arith.constant 0 : i32
        %ne3A_55 = arith.cmpi ne, %rem3A, %ne3A_54 : i32
        %and3A = arith.andi %ne3A, %ne3A_55 : i1
        %sub3A = arith.constant 1 : i32
        %sub3A_56 = arith.subi %div3A, %sub3A : i32
        %select_n3A = arith.select %and3A, %sub3A_56, %div3A : i32
        %jit3A_57 = arith.constant 8 : i32
        %eq3A = arith.constant 0 : i32
        %eq3A_58 = arith.cmpi eq, %jit3A_57, %eq3A : i32
        %jit3A_59 = arith.constant 1 : i32
        %select_n3A_60 = arith.select %eq3A_58, %jit3A_59, %jit3A_57 : i32
        %rem3A_61 = arith.remsi %scan3A_40, %select_n3A_60 : i32
        %ne3A_62 = arith.constant 0 : i32
        %ne3A_63 = arith.cmpi ne, %rem3A_61, %ne3A_62 : i32
        %lt3A = arith.constant 0 : i32
        %lt3A_64 = arith.cmpi slt, %rem3A_61, %lt3A : i32
        %lt3A_65 = arith.constant 0 : i32
        %lt3A_66 = arith.cmpi slt, %select_n3A_60, %lt3A_65 : i32
        %ne3A_67 = arith.xori %lt3A_64, %lt3A_66 : i1
        %and3A_68 = arith.andi %ne3A_67, %ne3A_63 : i1
        %add3A_69 = arith.addi %rem3A_61, %select_n3A_60 : i32
        %select_n3A_70 = arith.select %and3A_68, %add3A_69, %rem3A_61 : i32
        %mul3A_71 = arith.constant 16 : i32
        %mul3A_72 = arith.muli %select_n3A_70, %mul3A_71 : i32
        %mul3A_73 = arith.constant 32 : i32
        %mul3A_74 = arith.muli %scan3A_27, %mul3A_73 : i32
        %add3A_75 = arith.addi %mul3A_74, %select_n3A : i32
        %get3A = arith.index_cast %add3A_75 : i32 to index
        %get3A_76 = arith.index_cast %mul3A_72 : i32 to index
        %get3A_77 = tpu.vector_load %arg8[%get3A, %get3A_76] {strides = array<i32>} : memref<128x128xf32, #tpu.memory_space<vmem>>, vector<16xf32>,
        %mul3A_78 = arith.constant 32 : i32
        %mul3A_79 = arith.muli %scan3A_27, %mul3A_78 : i32
        %add3A_80 = arith.addi %mul3A_79, %select_n3A : i32
        %get3A_81 = arith.index_cast %add3A_80 : i32 to index
        %get3A_82 = arith.index_cast %mul3A_72 : i32 to index
        %get3A_83 = tpu.vector_load %arg9[%get3A_81, %get3A_82] {strides = array<i32>} : memref<128x128xf32, #tpu.memory_space<vmem>>, vector<16xf32>,
        %mul3A_84 = arith.constant 128 : i32
        %mul3A_85 = arith.muli %select_n3A, %mul3A_84 : i32
        %add3A_86 = arith.addi %mul3A_85, %mul3A_72 : i32
        %add3A_87 = vector.broadcast %add3A_86 : i32 to vector<16xi32>
        %add3A_88 = arith.addi %add3A_87, %iota3A : vector<16xi32>
        tpu.vector_store_idx %arg10[%add3A_88, %broadcast_in_dim3A_5], %get3A_77 : memref<4096x8xf32, #tpu.memory_space<vmem>>[vector<16xi32>, vector<16xi32>], vector<16xf32>,
        tpu.vector_store_idx %arg10[%add3A_88, %add3A_8], %get3A_83 : memref<4096x8xf32, #tpu.memory_space<vmem>>[vector<16xi32>, vector<16xi32>], vector<16xf32>,
      }
      %scan3A_33 = arith.constant 256 : i32
      %scan3A_34 = arith.constant 0 : i32
      %scan3A_35 = arith.constant 0 : i32
      %scan3A_36 = arith.constant 32 : i32
      %scan3A_37 = arith.addi %scan3A_35, %scan3A_36 : i32
      %scan3A_38 = arith.constant 1 : i32
      scf.for %scan3A_40 = %scan3A_35 to %scan3A_37 step %scan3A_38  : i32 {
        %mul3A_41 = arith.constant 128 : i32
        %mul3A_42 = arith.muli %scan3A_40, %mul3A_41 : i32
        %mul3A_43 = arith.constant 32 : i32
        %mul3A_44 = arith.muli %scan3A_27, %mul3A_43 : i32
        %add3A_45 = arith.addi %mul3A_44, %scan3A_40 : i32
        "tpu.region"() ({
          %run_scoped3A = tpu.sem_alloc : memref<!tpu.dma_semaphore, #tpu.memory_space<semaphore_mem>>
          %dma_start3A = arith.constant 0 : i32
          %dma_start3A_46 = tpu.memref_slice %arg10[%mul3A_42, %dma_start3A] : memref<4096x8xf32, #tpu.memory_space<vmem>> -> memref<128x8xf32, #tpu.memory_space<vmem>>
          %dma_start3A_47 = arith.constant 0 : i32
          %dma_start3A_48 = tpu.memref_slice %arg7[%add3A_45, %dma_start3A_47] : memref<128x128xi32, #tpu.memory_space<vmem>> -> memref<1x128xi32, #tpu.memory_space<vmem>>
          %dma_start3A_49 = tpu.memref_squeeze %dma_start3A_48 : memref<1x128xi32, #tpu.memory_space<vmem>> -> memref<128xi32, #tpu.memory_space<vmem>>
          %dma_start3A_50 = arith.constant 0 : i32
          %dma_start3A_51 = arith.constant 0 : i32
          %dma_start3A_52 = tpu.memref_slice %arg12[%dma_start3A_50, %dma_start3A_51] : memref<65536x8xf32, #tpu.memory_space<vmem_shared>> -> memref<65536x8xf32, #tpu.memory_space<vmem_shared>>
          tpu.enqueue_indirect_dma source(%dma_start3A_46 : memref<128x8xf32, #tpu.memory_space<vmem>>) target(%dma_start3A_52 : memref<65536x8xf32, #tpu.memory_space<vmem_shared>>) offsets(%dma_start3A_49 : memref<128xi32, #tpu.memory_space<vmem>>) semaphore(%run_scoped3A : memref<!tpu.dma_semaphore, #tpu.memory_space<semaphore_mem>>) {add = true}
          %dma_wait3A = arith.constant 0 : i32
          %dma_wait3A_53 = tpu.memref_slice %arg10[%mul3A_42, %dma_wait3A] : memref<4096x8xf32, #tpu.memory_space<vmem>> -> memref<128x8xf32, #tpu.memory_space<vmem>>
          %dma_wait3A_54 = arith.constant 0 : i32
          %dma_wait3A_55 = tpu.memref_slice %arg7[%add3A_45, %dma_wait3A_54] : memref<128x128xi32, #tpu.memory_space<vmem>> -> memref<1x128xi32, #tpu.memory_space<vmem>>
          %dma_wait3A_56 = tpu.memref_squeeze %dma_wait3A_55 : memref<1x128xi32, #tpu.memory_space<vmem>> -> memref<128xi32, #tpu.memory_space<vmem>>
          %dma_wait3A_57 = arith.constant 0 : i32
          %dma_wait3A_58 = arith.constant 0 : i32
          %dma_wait3A_59 = tpu.memref_slice %arg12[%dma_wait3A_57, %dma_wait3A_58] : memref<65536x8xf32, #tpu.memory_space<vmem_shared>> -> memref<65536x8xf32, #tpu.memory_space<vmem_shared>>
          tpu.wait_indirect_dma semaphore(%run_scoped3A : memref<!tpu.dma_semaphore, #tpu.memory_space<semaphore_mem>>) src(%dma_wait3A_53 : memref<128x8xf32, #tpu.memory_space<vmem>>) dst(%dma_wait3A_59 : memref<65536x8xf32, #tpu.memory_space<vmem_shared>>)
          tpu.yield
        }) : () -> ()
      }
      %scan3A_39 = arith.constant 32 : i32
    }
    %scan3A_13 = arith.constant 4 : i32
    %barrier3A_14 = arith.constant 0 : index
    tpu.barrier barrier_id(%barrier3A_14)
    %mul3A_15 = arith.constant 4096 : i32
    %mul3A_16 = arith.muli %arg1, %mul3A_15 : i32
    "tpu.region"() ({
      %run_scoped3A = tpu.sem_alloc : memref<!tpu.dma_semaphore, #tpu.memory_space<semaphore_mem>>
      %dma_start3A = arith.constant 0 : i32
      %dma_start3A_27 = tpu.memref_slice %arg12[%mul3A_16, %dma_start3A] : memref<65536x8xf32, #tpu.memory_space<vmem_shared>> -> memref<4096x8xf32, #tpu.memory_space<vmem_shared>>
      %dma_start3A_28 = arith.constant 0 : i32
      %dma_start3A_29 = tpu.memref_slice %arg12[%mul3A_16, %dma_start3A_28] : memref<65536x8xf32, #tpu.memory_space<vmem_shared>> -> memref<4096x8xf32, #tpu.memory_space<vmem_shared>>
      tpu.enqueue_dma source(%dma_start3A_29 : memref<4096x8xf32, #tpu.memory_space<vmem_shared>>) target(%arg10 : memref<4096x8xf32, #tpu.memory_space<vmem>>) target_semaphore(%run_scoped3A : memref<!tpu.dma_semaphore, #tpu.memory_space<semaphore_mem>>)
      %dma_wait3A = arith.constant 0 : i32
      %dma_wait3A_30 = tpu.memref_slice %arg12[%mul3A_16, %dma_wait3A] : memref<65536x8xf32, #tpu.memory_space<vmem_shared>> -> memref<4096x8xf32, #tpu.memory_space<vmem_shared>>
      %dma_wait3A_31 = arith.constant 0 : i32
      %dma_wait3A_32 = tpu.memref_slice %arg12[%mul3A_16, %dma_wait3A_31] : memref<65536x8xf32, #tpu.memory_space<vmem_shared>> -> memref<4096x8xf32, #tpu.memory_space<vmem_shared>>
      tpu.wait_dma2 semaphore(%run_scoped3A : memref<!tpu.dma_semaphore, #tpu.memory_space<semaphore_mem>>) src(%dma_wait3A_32 : memref<4096x8xf32, #tpu.memory_space<vmem_shared>>) dst(%arg10 : memref<4096x8xf32, #tpu.memory_space<vmem>>)
      tpu.yield
    }) : () -> ()
    %scan3A_17 = arith.constant 0 : i32
    %scan3A_18 = arith.constant 0 : i32
    %scan3A_19 = arith.constant 512 : i32
    %scan3A_20 = arith.addi %scan3A_18, %scan3A_19 : i32
    %scan3A_21 = arith.constant 1 : i32
    scf.for %scan3A_27 = %scan3A_18 to %scan3A_20 step %scan3A_21  : i32 {
      %mul3A_28 = arith.constant 8 : i32
      %mul3A_29 = arith.muli %mul3A_28, %scan3A_27 : i32
      %jit3A = arith.constant 2 : i32
      %div3A = vector.broadcast %jit3A : i32 to vector<16xi32>
      %div3A_30 = arith.divsi %iota3A, %div3A : vector<16xi32>
      %sign3A = arith.constant 0 : i32
      %sign3A_31 = vector.broadcast %sign3A : i32 to vector<16xi32>
      %sign3A_32 = arith.cmpi sgt, %iota3A, %sign3A_31 : vector<16xi32>
      %sign3A_33 = arith.extui %sign3A_32 : vector<16xi1> to vector<16xi32>
      %sign3A_34 = arith.constant 0 : i32
      %sign3A_35 = vector.broadcast %sign3A_34 : i32 to vector<16xi32>
      %sign3A_36 = arith.cmpi slt, %iota3A, %sign3A_35 : vector<16xi32>
      %sign3A_37 = arith.extui %sign3A_36 : vector<16xi1> to vector<16xi32>
      %sign3A_38 = arith.subi %sign3A_33, %sign3A_37 : vector<16xi32>
      %sign3A_39 = arith.constant 0 : i32
      %sign3A_40 = arith.cmpi sgt, %jit3A, %sign3A_39 : i32
      %sign3A_41 = arith.extui %sign3A_40 : i1 to i32
      %sign3A_42 = arith.constant 0 : i32
      %sign3A_43 = arith.cmpi slt, %jit3A, %sign3A_42 : i32
      %sign3A_44 = arith.extui %sign3A_43 : i1 to i32
      %sign3A_45 = arith.subi %sign3A_41, %sign3A_44 : i32
      %ne3A = vector.broadcast %sign3A_45 : i32 to vector<16xi32>
      %ne3A_46 = arith.cmpi ne, %sign3A_38, %ne3A : vector<16xi32>
      %rem3A = vector.broadcast %jit3A : i32 to vector<16xi32>
      %rem3A_47 = arith.remsi %iota3A, %rem3A : vector<16xi32>
      %ne3A_48 = arith.constant 0 : i32
      %ne3A_49 = vector.broadcast %ne3A_48 : i32 to vector<16xi32>
      %ne3A_50 = arith.cmpi ne, %rem3A_47, %ne3A_49 : vector<16xi32>
      %and3A = arith.andi %ne3A_46, %ne3A_50 : vector<16xi1>
      %sub3A = arith.constant 1 : i32
      %sub3A_51 = vector.broadcast %sub3A : i32 to vector<16xi32>
      %sub3A_52 = arith.subi %div3A_30, %sub3A_51 : vector<16xi32>
      %select_n3A = arith.select %and3A, %sub3A_52, %div3A_30 : vector<16xi1>, vector<16xi32>
      %add3A_53 = vector.broadcast %mul3A_29 : i32 to vector<16xi32>
      %add3A_54 = arith.addi %add3A_53, %select_n3A : vector<16xi32>
      %jit3A_55 = arith.constant 2 : i32
      %eq3A = arith.constant 0 : i32
      %eq3A_56 = arith.cmpi eq, %jit3A_55, %eq3A : i32
      %jit3A_57 = arith.constant 1 : i32
      %select_n3A_58 = arith.select %eq3A_56, %jit3A_57, %jit3A_55 : i32
      %rem3A_59 = vector.broadcast %select_n3A_58 : i32 to vector<16xi32>
      %rem3A_60 = arith.remsi %iota3A, %rem3A_59 : vector<16xi32>
      %ne3A_61 = arith.constant 0 : i32
      %ne3A_62 = vector.broadcast %ne3A_61 : i32 to vector<16xi32>
      %ne3A_63 = arith.cmpi ne, %rem3A_60, %ne3A_62 : vector<16xi32>
      %lt3A = arith.constant 0 : i32
      %lt3A_64 = vector.broadcast %lt3A : i32 to vector<16xi32>
      %lt3A_65 = arith.cmpi slt, %rem3A_60, %lt3A_64 : vector<16xi32>
      %lt3A_66 = arith.constant 0 : i32
      %lt3A_67 = arith.cmpi slt, %select_n3A_58, %lt3A_66 : i32
      %ne3A_68 = vector.broadcast %lt3A_67 : i1 to vector<16xi1>
      %ne3A_69 = vector.broadcast %ne3A_68 : vector<16xi1> to vector<16xi1>
      %ne3A_70 = arith.xori %lt3A_65, %ne3A_69 : vector<16xi1>
      %and3A_71 = arith.andi %ne3A_70, %ne3A_63 : vector<16xi1>
      %add3A_72 = vector.broadcast %select_n3A_58 : i32 to vector<16xi32>
      %add3A_73 = arith.addi %rem3A_60, %add3A_72 : vector<16xi32>
      %select_n3A_74 = arith.select %and3A_71, %add3A_73, %rem3A_60 : vector<16xi1>, vector<16xi32>
      %gather3A = tpu.vector_load_idx %arg10[%add3A_54, %select_n3A_74] : memref<4096x8xf32, #tpu.memory_space<vmem>>[vector<16xi32>, vector<16xi32>], vector<16xf32>,
      %mul3A_75 = arith.constant 16 : i32
      %mul3A_76 = arith.muli %scan3A_27, %mul3A_75 : i32
      %swap3A = arith.index_cast %mul3A_76 : i32 to index
      %swap3A_77 = tpu.vector_load %arg11[%swap3A] {strides = array<i32>} : memref<8192xf32, #tpu.memory_space<vmem>>, vector<16xf32>,
      tpu.vector_store %arg11[%swap3A], %gather3A {strides = array<i32>} : memref<8192xf32, #tpu.memory_space<vmem>>, vector<16xf32>,
    }
    %scan3A_22 = arith.constant 512 : i32
    %mul3A_23 = arith.constant 2 : i32
    %mul3A_24 = arith.muli %arg1, %mul3A_23 : i32
    %mul3A_25 = arith.constant 4096 : i32
    %mul3A_26 = arith.muli %mul3A_24, %mul3A_25 : i32
    "tpu.region"() ({
      %run_scoped3A = tpu.sem_alloc : memref<!tpu.dma_semaphore, #tpu.memory_space<semaphore_mem>>
      %dma_start3A = tpu.memref_slice %arg6[%arg0, %mul3A_26] : memref<2x131072xf32, #tpu.memory_space<hbm>> -> memref<1x8192xf32, #tpu.memory_space<hbm>>
      %dma_start3A_27 = tpu.memref_squeeze %dma_start3A : memref<1x8192xf32, #tpu.memory_space<hbm>> -> memref<8192xf32, #tpu.memory_space<hbm>>
      %dma_start3A_28 = tpu.memref_slice %arg6[%arg0, %mul3A_26] : memref<2x131072xf32, #tpu.memory_space<hbm>> -> memref<1x8192xf32, #tpu.memory_space<hbm>>
      %dma_start3A_29 = tpu.memref_squeeze %dma_start3A_28 : memref<1x8192xf32, #tpu.memory_space<hbm>> -> memref<8192xf32, #tpu.memory_space<hbm>>
      tpu.enqueue_dma source(%arg11 : memref<8192xf32, #tpu.memory_space<vmem>>) target(%dma_start3A_29 : memref<8192xf32, #tpu.memory_space<hbm>>) target_semaphore(%run_scoped3A : memref<!tpu.dma_semaphore, #tpu.memory_space<semaphore_mem>>)
      %dma_wait3A = tpu.memref_slice %arg6[%arg0, %mul3A_26] : memref<2x131072xf32, #tpu.memory_space<hbm>> -> memref<1x8192xf32, #tpu.memory_space<hbm>>
      %dma_wait3A_30 = tpu.memref_squeeze %dma_wait3A : memref<1x8192xf32, #tpu.memory_space<hbm>> -> memref<8192xf32, #tpu.memory_space<hbm>>
      %dma_wait3A_31 = tpu.memref_slice %arg6[%arg0, %mul3A_26] : memref<2x131072xf32, #tpu.memory_space<hbm>> -> memref<1x8192xf32, #tpu.memory_space<hbm>>
      %dma_wait3A_32 = tpu.memref_squeeze %dma_wait3A_31 : memref<1x8192xf32, #tpu.memory_space<hbm>> -> memref<8192xf32, #tpu.memory_space<hbm>>
      tpu.wait_dma2 semaphore(%run_scoped3A : memref<!tpu.dma_semaphore, #tpu.memory_space<semaphore_mem>>) src(%arg11 : memref<8192xf32, #tpu.memory_space<vmem>>) dst(%dma_wait3A_32 : memref<8192xf32, #tpu.memory_space<hbm>>)
      tpu.yield
    }) : () -> ()
    return
  }
}

module attributes {stable_mosaic.version = 14 : i64} {
  func.func @_tc_body(%arg0: i32, %arg1: memref<3xf32, #tpu.memory_space<smem>>, %arg2: memref<3xf32, #tpu.memory_space<smem>>, %arg3: memref<4x128x128xf32, #tpu.memory_space<vmem>>, %arg4: memref<4x128x128xf32, #tpu.memory_space<vmem>>, %arg5: memref<4x128x128xf32, #tpu.memory_space<vmem>>, %arg6: memref<4x128x128xf32, #tpu.memory_space<vmem>>, %arg7: memref<4x128x128xf32, #tpu.memory_space<vmem>>, %arg8: memref<4x128x128xf32, #tpu.memory_space<vmem>>, %arg9: memref<4x128x128xf32, #tpu.memory_space<vmem>>, %arg10: memref<4x128x128xf32, #tpu.memory_space<vmem>>, %arg11: memref<4x128x128xf32, #tpu.memory_space<vmem>>, %arg12: memref<4x128x128xf32, #tpu.memory_space<vmem>>, %arg13: memref<4x128x128xf32, #tpu.memory_space<vmem>>, %arg14: memref<4x128x128xf32, #tpu.memory_space<vmem>>, %arg15: memref<4x128x128xf32, #tpu.memory_space<vmem>>, %arg16: memref<4x128x128xf32, #tpu.memory_space<vmem>>, %arg17: memref<4x128x128xf32, #tpu.memory_space<vmem>>, %arg18: memref<4x128x128xi32, #tpu.memory_space<vmem>>) attributes {dimension_semantics = [#tpu.dimension_semantics<parallel>], iteration_bounds = array<i64: 8>, scalar_prefetch = 0 : i64, scratch_operands = 0 : i64, tpu.core_type = #tpu.core_type<tc>, window_params = [{transform_indices = @transform_0, window_bounds = array<i64: 3>}, {transform_indices = @transform_1, window_bounds = array<i64: 3>}, {transform_indices = @transform_2, window_bounds = array<i64: 4, 128, 128>}, {transform_indices = @transform_3, window_bounds = array<i64: 4, 128, 128>}, {transform_indices = @transform_4, window_bounds = array<i64: 4, 128, 128>}, {transform_indices = @transform_5, window_bounds = array<i64: 4, 128, 128>}, {transform_indices = @transform_6, window_bounds = array<i64: 4, 128, 128>}, {transform_indices = @transform_7, window_bounds = array<i64: 4, 128, 128>}, {transform_indices = @transform_8, window_bounds = array<i64: 4, 128, 128>}, {transform_indices = @transform_9, window_bounds = array<i64: 4, 128, 128>}, {transform_indices = @transform_10, window_bounds = array<i64: 4, 128, 128>}, {transform_indices = @transform_11, window_bounds = array<i64: 4, 128, 128>}, {transform_indices = @transform_12, window_bounds = array<i64: 4, 128, 128>}, {transform_indices = @transform_13, window_bounds = array<i64: 4, 128, 128>}, {transform_indices = @transform_14, window_bounds = array<i64: 4, 128, 128>}, {transform_indices = @transform_15, window_bounds = array<i64: 4, 128, 128>}, {transform_indices = @transform_16, window_bounds = array<i64: 4, 128, 128>}, {transform_indices = @transform_17, window_bounds = array<i64: 4, 128, 128>}]} {
    %get3A = arith.constant 0 : index
    %get3A_0 = arith.constant 0 : index
    %get3A_1 = arith.constant 0 : index
    %get3A_2 = vector.load %arg3[%get3A, %get3A_0, %get3A_1] : memref<4x128x128xf32, #tpu.memory_space<vmem>>, vector<4x128x128xf32>
    %get3A_3 = arith.constant 0 : index
    %get3A_4 = memref.load %arg1[%get3A_3] : memref<3xf32, #tpu.memory_space<smem>>
    %sub3A = vector.broadcast %get3A_4 : f32 to vector<4x128x128xf32>
    %sub3A_5 = arith.subf %get3A_2, %sub3A : vector<4x128x128xf32>
    %get3A_6 = arith.constant 0 : index
    %get3A_7 = arith.constant 0 : index
    %get3A_8 = arith.constant 0 : index
    %get3A_9 = vector.load %arg4[%get3A_6, %get3A_7, %get3A_8] : memref<4x128x128xf32, #tpu.memory_space<vmem>>, vector<4x128x128xf32>
    %get3A_10 = arith.constant 1 : index
    %get3A_11 = memref.load %arg1[%get3A_10] : memref<3xf32, #tpu.memory_space<smem>>
    %sub3A_12 = vector.broadcast %get3A_11 : f32 to vector<4x128x128xf32>
    %sub3A_13 = arith.subf %get3A_9, %sub3A_12 : vector<4x128x128xf32>
    %get3A_14 = arith.constant 0 : index
    %get3A_15 = arith.constant 0 : index
    %get3A_16 = arith.constant 0 : index
    %get3A_17 = vector.load %arg5[%get3A_14, %get3A_15, %get3A_16] : memref<4x128x128xf32, #tpu.memory_space<vmem>>, vector<4x128x128xf32>
    %get3A_18 = arith.constant 2 : index
    %get3A_19 = memref.load %arg1[%get3A_18] : memref<3xf32, #tpu.memory_space<smem>>
    %sub3A_20 = vector.broadcast %get3A_19 : f32 to vector<4x128x128xf32>
    %sub3A_21 = arith.subf %get3A_17, %sub3A_20 : vector<4x128x128xf32>
    %mul3A = arith.mulf %sub3A_5, %sub3A_5 : vector<4x128x128xf32>
    %mul3A_22 = arith.mulf %sub3A_13, %sub3A_13 : vector<4x128x128xf32>
    %add3A = arith.addf %mul3A, %mul3A_22 : vector<4x128x128xf32>
    %mul3A_23 = arith.mulf %sub3A_21, %sub3A_21 : vector<4x128x128xf32>
    %add3A_24 = arith.addf %add3A, %mul3A_23 : vector<4x128x128xf32>
    %sqrt3A = math.sqrt %add3A_24 : vector<4x128x128xf32>
    %gt3A = arith.constant 1.500000e+00 : f32
    %gt3A_25 = vector.broadcast %gt3A : f32 to vector<4x128x128xf32>
    %gt3A_26 = arith.cmpf ogt, %sqrt3A, %gt3A_25 : vector<4x128x128xf32>
    %convert_element_type3A = arith.extui %gt3A_26 : vector<4x128x128xi1> to vector<4x128x128xi32>
    %convert_element_type3A_27 = arith.sitofp %convert_element_type3A : vector<4x128x128xi32> to vector<4x128x128xf32>
    %get3A_28 = arith.constant 0 : index
    %get3A_29 = arith.constant 0 : index
    %get3A_30 = arith.constant 0 : index
    %get3A_31 = vector.load %arg3[%get3A_28, %get3A_29, %get3A_30] : memref<4x128x128xf32, #tpu.memory_space<vmem>>, vector<4x128x128xf32>
    %get3A_32 = arith.constant 0 : index
    %get3A_33 = memref.load %arg2[%get3A_32] : memref<3xf32, #tpu.memory_space<smem>>
    %sub3A_34 = vector.broadcast %get3A_33 : f32 to vector<4x128x128xf32>
    %sub3A_35 = arith.subf %get3A_31, %sub3A_34 : vector<4x128x128xf32>
    %get3A_36 = arith.constant 0 : index
    %get3A_37 = arith.constant 0 : index
    %get3A_38 = arith.constant 0 : index
    %get3A_39 = vector.load %arg4[%get3A_36, %get3A_37, %get3A_38] : memref<4x128x128xf32, #tpu.memory_space<vmem>>, vector<4x128x128xf32>
    %get3A_40 = arith.constant 1 : index
    %get3A_41 = memref.load %arg2[%get3A_40] : memref<3xf32, #tpu.memory_space<smem>>
    %sub3A_42 = vector.broadcast %get3A_41 : f32 to vector<4x128x128xf32>
    %sub3A_43 = arith.subf %get3A_39, %sub3A_42 : vector<4x128x128xf32>
    %get3A_44 = arith.constant 0 : index
    %get3A_45 = arith.constant 0 : index
    %get3A_46 = arith.constant 0 : index
    %get3A_47 = vector.load %arg5[%get3A_44, %get3A_45, %get3A_46] : memref<4x128x128xf32, #tpu.memory_space<vmem>>, vector<4x128x128xf32>
    %get3A_48 = arith.constant 2 : index
    %get3A_49 = memref.load %arg2[%get3A_48] : memref<3xf32, #tpu.memory_space<smem>>
    %sub3A_50 = vector.broadcast %get3A_49 : f32 to vector<4x128x128xf32>
    %sub3A_51 = arith.subf %get3A_47, %sub3A_50 : vector<4x128x128xf32>
    %mul3A_52 = arith.mulf %sub3A_35, %sub3A_35 : vector<4x128x128xf32>
    %mul3A_53 = arith.mulf %sub3A_43, %sub3A_43 : vector<4x128x128xf32>
    %add3A_54 = arith.addf %mul3A_52, %mul3A_53 : vector<4x128x128xf32>
    %mul3A_55 = arith.mulf %sub3A_51, %sub3A_51 : vector<4x128x128xf32>
    %add3A_56 = arith.addf %add3A_54, %mul3A_55 : vector<4x128x128xf32>
    %sqrt3A_57 = math.sqrt %add3A_56 : vector<4x128x128xf32>
    %add3A_58 = arith.addf %sqrt3A, %sqrt3A_57 : vector<4x128x128xf32>
    %get3A_59 = arith.constant 0 : index
    %get3A_60 = arith.constant 0 : index
    %get3A_61 = arith.constant 0 : index
    %get3A_62 = vector.load %arg14[%get3A_59, %get3A_60, %get3A_61] : memref<4x128x128xf32, #tpu.memory_space<vmem>>, vector<4x128x128xf32>
    %neg3A = arith.constant 0.000000e+00 : f32
    %neg3A_63 = vector.broadcast %neg3A : f32 to vector<4x128x128xf32>
    %neg3A_64 = arith.subf %neg3A_63, %get3A_62 : vector<4x128x128xf32>
    %mul3A_65 = arith.mulf %neg3A_64, %add3A_58 : vector<4x128x128xf32>
    %exp3A = math.exp %mul3A_65 : vector<4x128x128xf32>
    %max3A = arith.constant 9.99999997E-7 : f32
    %max3A_66 = vector.broadcast %max3A : f32 to vector<4x128x128xf32>
    %max3A_67 = arith.maximumf %add3A_58, %max3A_66 : vector<4x128x128xf32>
    %div3A = arith.divf %exp3A, %max3A_67 : vector<4x128x128xf32>
    %mul3A_68 = arith.constant 6.28318548 : f32
    %mul3A_69 = vector.broadcast %mul3A_68 : f32 to vector<4x128x128xf32>
    %mul3A_70 = arith.mulf %mul3A_69, %add3A_58 : vector<4x128x128xf32>
    %div3A_71 = arith.constant 1.000000e-01 : f32
    %div3A_72 = vector.broadcast %div3A_71 : f32 to vector<4x128x128xf32>
    %div3A_73 = arith.divf %mul3A_70, %div3A_72 : vector<4x128x128xf32>
    %cos3A = math.cos %div3A_73 : vector<4x128x128xf32>
    %sin3A = math.sin %div3A_73 : vector<4x128x128xf32>
    %get3A_74 = arith.constant 0 : index
    %get3A_75 = arith.constant 0 : index
    %get3A_76 = arith.constant 0 : index
    %get3A_77 = vector.load %arg6[%get3A_74, %get3A_75, %get3A_76] : memref<4x128x128xf32, #tpu.memory_space<vmem>>, vector<4x128x128xf32>
    %get3A_78 = arith.constant 0 : index
    %get3A_79 = arith.constant 0 : index
    %get3A_80 = arith.constant 0 : index
    %get3A_81 = vector.load %arg6[%get3A_78, %get3A_79, %get3A_80] : memref<4x128x128xf32, #tpu.memory_space<vmem>>, vector<4x128x128xf32>
    %mul3A_82 = arith.mulf %get3A_77, %get3A_81 : vector<4x128x128xf32>
    %get3A_83 = arith.constant 0 : index
    %get3A_84 = arith.constant 0 : index
    %get3A_85 = arith.constant 0 : index
    %get3A_86 = vector.load %arg7[%get3A_83, %get3A_84, %get3A_85] : memref<4x128x128xf32, #tpu.memory_space<vmem>>, vector<4x128x128xf32>
    %get3A_87 = arith.constant 0 : index
    %get3A_88 = arith.constant 0 : index
    %get3A_89 = arith.constant 0 : index
    %get3A_90 = vector.load %arg7[%get3A_87, %get3A_88, %get3A_89] : memref<4x128x128xf32, #tpu.memory_space<vmem>>, vector<4x128x128xf32>
    %mul3A_91 = arith.mulf %get3A_86, %get3A_90 : vector<4x128x128xf32>
    %add3A_92 = arith.addf %mul3A_82, %mul3A_91 : vector<4x128x128xf32>
    %get3A_93 = arith.constant 0 : index
    %get3A_94 = arith.constant 0 : index
    %get3A_95 = arith.constant 0 : index
    %get3A_96 = vector.load %arg8[%get3A_93, %get3A_94, %get3A_95] : memref<4x128x128xf32, #tpu.memory_space<vmem>>, vector<4x128x128xf32>
    %get3A_97 = arith.constant 0 : index
    %get3A_98 = arith.constant 0 : index
    %get3A_99 = arith.constant 0 : index
    %get3A_100 = vector.load %arg8[%get3A_97, %get3A_98, %get3A_99] : memref<4x128x128xf32, #tpu.memory_space<vmem>>, vector<4x128x128xf32>
    %mul3A_101 = arith.mulf %get3A_96, %get3A_100 : vector<4x128x128xf32>
    %add3A_102 = arith.addf %add3A_92, %mul3A_101 : vector<4x128x128xf32>
    %get3A_103 = arith.constant 0 : index
    %get3A_104 = arith.constant 0 : index
    %get3A_105 = arith.constant 0 : index
    %get3A_106 = vector.load %arg9[%get3A_103, %get3A_104, %get3A_105] : memref<4x128x128xf32, #tpu.memory_space<vmem>>, vector<4x128x128xf32>
    %get3A_107 = arith.constant 0 : index
    %get3A_108 = arith.constant 0 : index
    %get3A_109 = arith.constant 0 : index
    %get3A_110 = vector.load %arg9[%get3A_107, %get3A_108, %get3A_109] : memref<4x128x128xf32, #tpu.memory_space<vmem>>, vector<4x128x128xf32>
    %mul3A_111 = arith.mulf %get3A_106, %get3A_110 : vector<4x128x128xf32>
    %add3A_112 = arith.addf %add3A_102, %mul3A_111 : vector<4x128x128xf32>
    %get3A_113 = arith.constant 0 : index
    %get3A_114 = arith.constant 0 : index
    %get3A_115 = arith.constant 0 : index
    %get3A_116 = vector.load %arg10[%get3A_113, %get3A_114, %get3A_115] : memref<4x128x128xf32, #tpu.memory_space<vmem>>, vector<4x128x128xf32>
    %get3A_117 = arith.constant 0 : index
    %get3A_118 = arith.constant 0 : index
    %get3A_119 = arith.constant 0 : index
    %get3A_120 = vector.load %arg10[%get3A_117, %get3A_118, %get3A_119] : memref<4x128x128xf32, #tpu.memory_space<vmem>>, vector<4x128x128xf32>
    %mul3A_121 = arith.mulf %get3A_116, %get3A_120 : vector<4x128x128xf32>
    %add3A_122 = arith.addf %add3A_112, %mul3A_121 : vector<4x128x128xf32>
    %get3A_123 = arith.constant 0 : index
    %get3A_124 = arith.constant 0 : index
    %get3A_125 = arith.constant 0 : index
    %get3A_126 = vector.load %arg11[%get3A_123, %get3A_124, %get3A_125] : memref<4x128x128xf32, #tpu.memory_space<vmem>>, vector<4x128x128xf32>
    %get3A_127 = arith.constant 0 : index
    %get3A_128 = arith.constant 0 : index
    %get3A_129 = arith.constant 0 : index
    %get3A_130 = vector.load %arg11[%get3A_127, %get3A_128, %get3A_129] : memref<4x128x128xf32, #tpu.memory_space<vmem>>, vector<4x128x128xf32>
    %mul3A_131 = arith.mulf %get3A_126, %get3A_130 : vector<4x128x128xf32>
    %add3A_132 = arith.addf %add3A_122, %mul3A_131 : vector<4x128x128xf32>
    %mul3A_133 = arith.constant -5.000000e-01 : f32
    %mul3A_134 = vector.broadcast %mul3A_133 : f32 to vector<4x128x128xf32>
    %mul3A_135 = arith.mulf %mul3A_134, %add3A_132 : vector<4x128x128xf32>
    %get3A_136 = arith.constant 0 : index
    %get3A_137 = arith.constant 0 : index
    %get3A_138 = arith.constant 0 : index
    %get3A_139 = vector.load %arg15[%get3A_136, %get3A_137, %get3A_138] : memref<4x128x128xf32, #tpu.memory_space<vmem>>, vector<4x128x128xf32>
    %get3A_140 = arith.constant 0 : index
    %get3A_141 = arith.constant 0 : index
    %get3A_142 = arith.constant 0 : index
    %get3A_143 = vector.load %arg15[%get3A_140, %get3A_141, %get3A_142] : memref<4x128x128xf32, #tpu.memory_space<vmem>>, vector<4x128x128xf32>
    %mul3A_144 = arith.mulf %get3A_139, %get3A_143 : vector<4x128x128xf32>
    %add3A_145 = arith.constant 9.99999997E-7 : f32
    %add3A_146 = vector.broadcast %add3A_145 : f32 to vector<4x128x128xf32>
    %add3A_147 = arith.addf %mul3A_144, %add3A_146 : vector<4x128x128xf32>
    %div3A_148 = arith.divf %mul3A_135, %add3A_147 : vector<4x128x128xf32>
    %exp3A_149 = math.exp %div3A_148 : vector<4x128x128xf32>
    %mul3A_150 = arith.mulf %div3A, %convert_element_type3A_27 : vector<4x128x128xf32>
    %mul3A_151 = arith.mulf %mul3A_150, %exp3A_149 : vector<4x128x128xf32>
    %get3A_152 = arith.constant 0 : index
    %get3A_153 = arith.constant 0 : index
    %get3A_154 = arith.constant 0 : index
    %get3A_155 = vector.load %arg12[%get3A_152, %get3A_153, %get3A_154] : memref<4x128x128xf32, #tpu.memory_space<vmem>>, vector<4x128x128xf32>
    %mul3A_156 = arith.mulf %get3A_155, %cos3A : vector<4x128x128xf32>
    %get3A_157 = arith.constant 0 : index
    %get3A_158 = arith.constant 0 : index
    %get3A_159 = arith.constant 0 : index
    %get3A_160 = vector.load %arg13[%get3A_157, %get3A_158, %get3A_159] : memref<4x128x128xf32, #tpu.memory_space<vmem>>, vector<4x128x128xf32>
    %mul3A_161 = arith.mulf %get3A_160, %sin3A : vector<4x128x128xf32>
    %sub3A_162 = arith.subf %mul3A_156, %mul3A_161 : vector<4x128x128xf32>
    %mul3A_163 = arith.mulf %mul3A_151, %sub3A_162 : vector<4x128x128xf32>
    %swap3A = arith.constant 0 : index
    %swap3A_164 = arith.constant 0 : index
    %swap3A_165 = arith.constant 0 : index
    %swap3A_166 = vector.load %arg16[%swap3A, %swap3A_164, %swap3A_165] : memref<4x128x128xf32, #tpu.memory_space<vmem>>, vector<4x128x128xf32>
    tpu.vector_store %arg16[%swap3A, %swap3A_164, %swap3A_165], %mul3A_163 {strides = array<i32>} : memref<4x128x128xf32, #tpu.memory_space<vmem>>, vector<4x128x128xf32>,
    %get3A_167 = arith.constant 0 : index
    %get3A_168 = arith.constant 0 : index
    %get3A_169 = arith.constant 0 : index
    %get3A_170 = vector.load %arg12[%get3A_167, %get3A_168, %get3A_169] : memref<4x128x128xf32, #tpu.memory_space<vmem>>, vector<4x128x128xf32>
    %mul3A_171 = arith.mulf %get3A_170, %sin3A : vector<4x128x128xf32>
    %get3A_172 = arith.constant 0 : index
    %get3A_173 = arith.constant 0 : index
    %get3A_174 = arith.constant 0 : index
    %get3A_175 = vector.load %arg13[%get3A_172, %get3A_173, %get3A_174] : memref<4x128x128xf32, #tpu.memory_space<vmem>>, vector<4x128x128xf32>
    %mul3A_176 = arith.mulf %get3A_175, %cos3A : vector<4x128x128xf32>
    %add3A_177 = arith.addf %mul3A_171, %mul3A_176 : vector<4x128x128xf32>
    %mul3A_178 = arith.mulf %mul3A_151, %add3A_177 : vector<4x128x128xf32>
    %swap3A_179 = arith.constant 0 : index
    %swap3A_180 = arith.constant 0 : index
    %swap3A_181 = arith.constant 0 : index
    %swap3A_182 = vector.load %arg17[%swap3A_179, %swap3A_180, %swap3A_181] : memref<4x128x128xf32, #tpu.memory_space<vmem>>, vector<4x128x128xf32>
    tpu.vector_store %arg17[%swap3A_179, %swap3A_180, %swap3A_181], %mul3A_178 {strides = array<i32>} : memref<4x128x128xf32, #tpu.memory_space<vmem>>, vector<4x128x128xf32>,
    %atan23A = math.atan2 %sub3A_13, %sub3A_5 : vector<4x128x128xf32>
    %max3A_183 = arith.constant 9.99999997E-7 : f32
    %max3A_184 = vector.broadcast %max3A_183 : f32 to vector<4x128x128xf32>
    %max3A_185 = arith.maximumf %sqrt3A, %max3A_184 : vector<4x128x128xf32>
    %div3A_186 = arith.divf %sub3A_21, %max3A_185 : vector<4x128x128xf32>
    %jit3A = arith.constant -1.000000e+00 : f32
    %jit3A_187 = arith.constant 1.000000e+00 : f32
    %max3A_188 = vector.broadcast %jit3A : f32 to vector<4x128x128xf32>
    %max3A_189 = arith.maximumf %max3A_188, %div3A_186 : vector<4x128x128xf32>
    %min3A = vector.broadcast %jit3A_187 : f32 to vector<4x128x128xf32>
    %min3A_190 = arith.minimumf %min3A, %max3A_189 : vector<4x128x128xf32>
    %mul3A_191 = arith.mulf %min3A_190, %min3A_190 : vector<4x128x128xf32>
    %sub3A_192 = arith.constant 1.000000e+00 : f32
    %sub3A_193 = vector.broadcast %sub3A_192 : f32 to vector<4x128x128xf32>
    %sub3A_194 = arith.subf %sub3A_193, %mul3A_191 : vector<4x128x128xf32>
    %max3A_195 = arith.constant 0.000000e+00 : f32
    %max3A_196 = vector.broadcast %max3A_195 : f32 to vector<4x128x128xf32>
    %max3A_197 = arith.maximumf %sub3A_194, %max3A_196 : vector<4x128x128xf32>
    %sqrt3A_198 = math.sqrt %max3A_197 : vector<4x128x128xf32>
    %atan23A_199 = math.atan2 %min3A_190, %sqrt3A_198 : vector<4x128x128xf32>
    %add3A_200 = arith.constant 3.14159274 : f32
    %add3A_201 = vector.broadcast %add3A_200 : f32 to vector<4x128x128xf32>
    %add3A_202 = arith.addf %atan23A, %add3A_201 : vector<4x128x128xf32>
    %div3A_203 = arith.constant 6.28318548 : f32
    %div3A_204 = vector.broadcast %div3A_203 : f32 to vector<4x128x128xf32>
    %div3A_205 = arith.divf %add3A_202, %div3A_204 : vector<4x128x128xf32>
    %mul3A_206 = arith.constant 2.560000e+02 : f32
    %mul3A_207 = vector.broadcast %mul3A_206 : f32 to vector<4x128x128xf32>
    %mul3A_208 = arith.mulf %div3A_205, %mul3A_207 : vector<4x128x128xf32>
    %convert_element_type3A_209 = arith.fptosi %mul3A_208 : vector<4x128x128xf32> to vector<4x128x128xi32>
    %jit3A_210 = arith.constant 0 : i32
    %jit3A_211 = arith.constant 255 : i32
    %max3A_212 = vector.broadcast %jit3A_210 : i32 to vector<4x128x128xi32>
    %max3A_213 = arith.maxsi %max3A_212, %convert_element_type3A_209 : vector<4x128x128xi32>
    %min3A_214 = vector.broadcast %jit3A_211 : i32 to vector<4x128x128xi32>
    %min3A_215 = arith.minsi %min3A_214, %max3A_213 : vector<4x128x128xi32>
    %add3A_216 = arith.constant 1.57079637 : f32
    %add3A_217 = vector.broadcast %add3A_216 : f32 to vector<4x128x128xf32>
    %add3A_218 = arith.addf %atan23A_199, %add3A_217 : vector<4x128x128xf32>
    %div3A_219 = arith.constant 3.14159274 : f32
    %div3A_220 = vector.broadcast %div3A_219 : f32 to vector<4x128x128xf32>
    %div3A_221 = arith.divf %add3A_218, %div3A_220 : vector<4x128x128xf32>
    %mul3A_222 = arith.constant 2.560000e+02 : f32
    %mul3A_223 = vector.broadcast %mul3A_222 : f32 to vector<4x128x128xf32>
    %mul3A_224 = arith.mulf %div3A_221, %mul3A_223 : vector<4x128x128xf32>
    %convert_element_type3A_225 = arith.fptosi %mul3A_224 : vector<4x128x128xf32> to vector<4x128x128xi32>
    %jit3A_226 = arith.constant 0 : i32
    %jit3A_227 = arith.constant 255 : i32
    %max3A_228 = vector.broadcast %jit3A_226 : i32 to vector<4x128x128xi32>
    %max3A_229 = arith.maxsi %max3A_228, %convert_element_type3A_225 : vector<4x128x128xi32>
    %min3A_230 = vector.broadcast %jit3A_227 : i32 to vector<4x128x128xi32>
    %min3A_231 = arith.minsi %min3A_230, %max3A_229 : vector<4x128x128xi32>
    %mul3A_232 = arith.constant 256 : i32
    %mul3A_233 = vector.broadcast %mul3A_232 : i32 to vector<4x128x128xi32>
    %mul3A_234 = arith.muli %min3A_231, %mul3A_233 : vector<4x128x128xi32>
    %add3A_235 = arith.addi %mul3A_234, %min3A_215 : vector<4x128x128xi32>
    %swap3A_236 = arith.constant 0 : index
    %swap3A_237 = arith.constant 0 : index
    %swap3A_238 = arith.constant 0 : index
    %swap3A_239 = vector.load %arg18[%swap3A_236, %swap3A_237, %swap3A_238] : memref<4x128x128xi32, #tpu.memory_space<vmem>>, vector<4x128x128xi32>
    tpu.vector_store %arg18[%swap3A_236, %swap3A_237, %swap3A_238], %add3A_235 {strides = array<i32>} : memref<4x128x128xi32, #tpu.memory_space<vmem>>, vector<4x128x128xi32>,
    return
  }
  func.func @transform_0(%arg0: i32) -> i32 {
    %c0_i32 = arith.constant 0 : i32
    %c0_i32_0 = arith.constant 0 : i32
    return %c0_i32 : i32
  }
  func.func @transform_1(%arg0: i32) -> i32 {
    %c0_i32 = arith.constant 0 : i32
    %c0_i32_0 = arith.constant 0 : i32
    return %c0_i32 : i32
  }
  func.func @transform_2(%arg0: i32) -> (i32, i32, i32) {
    %c0_i32 = arith.constant 0 : i32
    %c0_i32_0 = arith.constant 0 : i32
    %c0_i32_1 = arith.constant 0 : i32
    return %arg0, %c0_i32, %c0_i32_0 : i32, i32, i32
  }
  func.func @transform_3(%arg0: i32) -> (i32, i32, i32) {
    %c0_i32 = arith.constant 0 : i32
    %c0_i32_0 = arith.constant 0 : i32
    %c0_i32_1 = arith.constant 0 : i32
    return %arg0, %c0_i32, %c0_i32_0 : i32, i32, i32
  }
  func.func @transform_4(%arg0: i32) -> (i32, i32, i32) {
    %c0_i32 = arith.constant 0 : i32
    %c0_i32_0 = arith.constant 0 : i32
    %c0_i32_1 = arith.constant 0 : i32
    return %arg0, %c0_i32, %c0_i32_0 : i32, i32, i32
  }
  func.func @transform_5(%arg0: i32) -> (i32, i32, i32) {
    %c0_i32 = arith.constant 0 : i32
    %c0_i32_0 = arith.constant 0 : i32
    %c0_i32_1 = arith.constant 0 : i32
    return %arg0, %c0_i32, %c0_i32_0 : i32, i32, i32
  }
  func.func @transform_6(%arg0: i32) -> (i32, i32, i32) {
    %c0_i32 = arith.constant 0 : i32
    %c0_i32_0 = arith.constant 0 : i32
    %c0_i32_1 = arith.constant 0 : i32
    return %arg0, %c0_i32, %c0_i32_0 : i32, i32, i32
  }
  func.func @transform_7(%arg0: i32) -> (i32, i32, i32) {
    %c0_i32 = arith.constant 0 : i32
    %c0_i32_0 = arith.constant 0 : i32
    %c0_i32_1 = arith.constant 0 : i32
    return %arg0, %c0_i32, %c0_i32_0 : i32, i32, i32
  }
  func.func @transform_8(%arg0: i32) -> (i32, i32, i32) {
    %c0_i32 = arith.constant 0 : i32
    %c0_i32_0 = arith.constant 0 : i32
    %c0_i32_1 = arith.constant 0 : i32
    return %arg0, %c0_i32, %c0_i32_0 : i32, i32, i32
  }
  func.func @transform_9(%arg0: i32) -> (i32, i32, i32) {
    %c0_i32 = arith.constant 0 : i32
    %c0_i32_0 = arith.constant 0 : i32
    %c0_i32_1 = arith.constant 0 : i32
    return %arg0, %c0_i32, %c0_i32_0 : i32, i32, i32
  }
  func.func @transform_10(%arg0: i32) -> (i32, i32, i32) {
    %c0_i32 = arith.constant 0 : i32
    %c0_i32_0 = arith.constant 0 : i32
    %c0_i32_1 = arith.constant 0 : i32
    return %arg0, %c0_i32, %c0_i32_0 : i32, i32, i32
  }
  func.func @transform_11(%arg0: i32) -> (i32, i32, i32) {
    %c0_i32 = arith.constant 0 : i32
    %c0_i32_0 = arith.constant 0 : i32
    %c0_i32_1 = arith.constant 0 : i32
    return %arg0, %c0_i32, %c0_i32_0 : i32, i32, i32
  }
  func.func @transform_12(%arg0: i32) -> (i32, i32, i32) {
    %c0_i32 = arith.constant 0 : i32
    %c0_i32_0 = arith.constant 0 : i32
    %c0_i32_1 = arith.constant 0 : i32
    return %arg0, %c0_i32, %c0_i32_0 : i32, i32, i32
  }
  func.func @transform_13(%arg0: i32) -> (i32, i32, i32) {
    %c0_i32 = arith.constant 0 : i32
    %c0_i32_0 = arith.constant 0 : i32
    %c0_i32_1 = arith.constant 0 : i32
    return %arg0, %c0_i32, %c0_i32_0 : i32, i32, i32
  }
  func.func @transform_14(%arg0: i32) -> (i32, i32, i32) {
    %c0_i32 = arith.constant 0 : i32
    %c0_i32_0 = arith.constant 0 : i32
    %c0_i32_1 = arith.constant 0 : i32
    return %arg0, %c0_i32, %c0_i32_0 : i32, i32, i32
  }
  func.func @transform_15(%arg0: i32) -> (i32, i32, i32) {
    %c0_i32 = arith.constant 0 : i32
    %c0_i32_0 = arith.constant 0 : i32
    %c0_i32_1 = arith.constant 0 : i32
    return %arg0, %c0_i32, %c0_i32_0 : i32, i32, i32
  }
  func.func @transform_16(%arg0: i32) -> (i32, i32, i32) {
    %c0_i32 = arith.constant 0 : i32
    %c0_i32_0 = arith.constant 0 : i32
    %c0_i32_1 = arith.constant 0 : i32
    return %arg0, %c0_i32, %c0_i32_0 : i32, i32, i32
  }
  func.func @transform_17(%arg0: i32) -> (i32, i32, i32) {
    %c0_i32 = arith.constant 0 : i32
    %c0_i32_0 = arith.constant 0 : i32
    %c0_i32_1 = arith.constant 0 : i32
    return %arg0, %c0_i32, %c0_i32_0 : i32, i32, i32
  }
}

</mosaic_0001>

<sc_bundles>
// kernel: kernel.4.cloned.1.call-start
scs
__scs_entry_jumppad:
0x0: {  	(pc) =	sbr.rel $0x88, $3  }
0x1: {  	(tag) =	ssettag $0x0;
	lr =	simm.s32 $0x1  }
0x2: {  	[smem:$0x3F99] =	sst lr;
	_ =	strace $0xD0000000  }
0x3: {  	_ = 	snop  }
0x4: {  	_ = 	snop  }
0x5: {  	_ = 	snop  }
0x6: {  	_ = 	snop  }
0x7: {  	_ = 	snop  }
__scs_overlays_trampoline_lowered:
0x8: {  	[smem:$0x3FA8] =	sst s0  }
0x9: {  	[smem:$0x3FA9] =	sst s1  }
0xa: {  	[smem:$0x3FAA] =	sst s2  }
0xb: {  	[smem:$0x3FAB] =	sst s3  }
0xc: {  	[smem:$0x3FAC] =	sst s4  }
0xd: {  	[smem:$0x3FAD] =	sst s5  }
0xe: {  	[smem:$0x3FAE] =	sst s6  }
0xf: {  	[smem:$0x3FAF] =	sst s7  }
0x10: {  	[smem:$0x3FB0] =	sst s8  }
0x11: {  	[smem:$0x3FB1] =	sst s9;
	s0 =	simm.s32 @!p0 $0x0  }
0x12: {  	s1 =	sld [smem:$0x3F97];
	s0 =	simm.s32 @p0 $0x1  }
0x13: {  	[smem:$0x3FB2] =	sst s0;
	s0 =	simm.s32 @!p1 $0x0  }
0x14: {  	s2 =	sld [smem:$0x3F96];
	s0 =	simm.s32 @p1 $0x1  }
0x15: {  	[smem:$0x3FB3] =	sst s0;
	s0 =	simm.s32 @!p2 $0x0  }
0x16: {  	s3 =	sld [smem:$0x3FDB];
	s0 =	simm.s32 @p2 $0x1  }
0x17: {  	s4 =	simm.s32 $0x1BF5;
	[smem:$0x3FB5] =	sst s0  }
0x18: {  	s0 =	sld [smem:$0x3F98];
	_ =	swait.ge [sflag:s4], $0x0  }
0x19: {  	s7 =	sld [smem:$0x3F99]  }
0x1a: {  	s8 =	sadd.s32 $0xFFFFE003, lr  }
0x1b: {  	s9 =	sadd.s32 $0xFFFFFEF7, lr;
	s5 =	simm.s32 $0xFFFFFFFF;
	p2 =	slt.u32 s8, $0xFFFFF086  }
0x1c: {  	p1 =	slt.u32 s9, $0xF7A;
	s5 =	simm.s32 @!p2 $0x0  }
0x1d: {  	s5 =	simm.s32 @p1 $0x1;
	p0 =	seq.s32 s7, s2  }
0x1e: {  	s7 =	smul.u32 @!p0 $0xF7A, s2;
	p2 =	seq.s32 @!p0 s5, $0x0  }
0x1f: {  	s9 =	smul.u32 $0xF7A, s1;
	s8 =	simm.s32 @!p0 $0x1BF5;
	p2 =	por !p2, p0  }
0x20: {  	[sflag:s8] =	ssyncset.s32 @!p0 $0xFFFFF086;
	s6 =	sadd.s32 @!p0 s3, s7;
	s7 =	simm.s32 @!p0 $0x108  }
0x21: {  	s3 =	sadd.s32 s3, s9;
	s6 =	sadd.s32 @!p0 $0x88, s6;
	s7 =	simm.s32 @p2 $0x1082  }
0x22: {  	[simem:s7], [sflag:s8] =	dma.local @!p0 [hbm:s6], $0xF7A  }
0x23: {  	s9 =	sor.u32 $0xD0000000, s2;
	s6 =	simm.s32 $0x108;
	_ =	swait.ge @!p0 [sflag:s8], $0x0  }
0x24: {  	s3 =	sadd.s32 $0x88, s3;
	s6 =	simm.s32 @!p1 $0x1082;
	[sflag:s4] =	ssyncset.s32 $0xFFFFF086  }
0x25: {  	[simem:s6], [sflag:s4] =	dma.local [hbm:s3], $0xF7A  }
0x26: {  	[smem:$0x3F99] =	sst s1;
	(tag) =	ssettag s2;
	_ =	strace s9  }
0x27: {  	s1 =	sld [smem:$0x3FA9]  }
0x28: {  	s2 =	sld [smem:$0x3FAA]  }
0x29: {  	s4 =	sld [smem:$0x3FAC]  }
0x2a: {  	p0 =	seq.s32 s5, $0x0;
	s5 =	sld [smem:$0x3FAD]  }
0x2b: {  	s6 =	sld [smem:$0x3FAE]  }
0x2c: {  	s7 =	sld [smem:$0x3FAF]  }
0x2d: {  	s3 =	simm.s32 $0x108;
	s8 =	sld [smem:$0x3FB0]  }
0x2e: {  	s3 =	simm.s32 @!p0 $0x1082;
	s9 =	sld [smem:$0x3FB1]  }
0x2f: {  	lr =	sadd.s32 s0, s3;
	s0 =	sld [smem:$0x3FA8]  }
0x30: {  	s3 =	sld [smem:$0x3FAB]  }
0x31: {  	[smem:$0x3FB4] =	sst s10  }
0x32: {  	s10 =	sld [smem:$0x3FB2];
	_ =	sdelay $0x3  }
0x33: {  	p0 =	seq.s32 s10, $0x1;
	s10 =	sld [smem:$0x3FB4];
	_ =	sdelay $0x3  }
0x34: {  	[smem:$0x3FB4] =	sst s10  }
0x35: {  	s10 =	sld [smem:$0x3FB3];
	_ =	sdelay $0x3  }
0x36: {  	p1 =	seq.s32 s10, $0x1;
	s10 =	sld [smem:$0x3FB4];
	_ =	sdelay $0x3  }
0x37: {  	[smem:$0x3FB4] =	sst s10  }
0x38: {  	s10 =	sld [smem:$0x3FB5]  }
0x39: {  	_ = 	snop;
	(pc) =	sbr.ind lr, $3  }
0x3a: {  	_ = 	snop  }
0x3b: {  	_ = 	snop  }
0x3c: {  	p2 =	seq.s32 s10, $0x1;
	s10 =	sld [smem:$0x3FB4]  }
0x3d: {  	_ =	shalt  }
0x3e: {  	_ =	shalt  }
0x3f: {  	_ =	shalt  }
0x40: {  	_ =	shalt  }
0x41: {  	_ =	shalt  }
0x42: {  	_ =	shalt  }
0x43: {  	_ =	shalt  }
0x44: {  	_ =	shalt  }
0x45: {  	_ =	shalt  }
0x46: {  	_ =	shalt  }
0x47: {  	_ =	shalt  }
0x48: {  	_ =	shalt  }
0x49: {  	_ =	shalt  }
0x4a: {  	_ =	shalt  }
0x4b: {  	_ =	shalt  }
0x4c: {  	_ =	shalt  }
0x4d: {  	_ =	shalt  }
0x4e: {  	_ =	shalt  }
0x4f: {  	_ =	shalt  }
0x50: {  	_ =	shalt  }
0x51: {  	_ =	shalt  }
0x52: {  	_ =	shalt  }
0x53: {  	_ =	shalt  }
0x54: {  	_ =	shalt  }
0x55: {  	_ =	shalt  }
0x56: {  	_ =	shalt  }
0x57: {  	_ =	shalt  }
0x58: {  	_ =	shalt  }
0x59: {  	_ =	shalt  }
0x5a: {  	_ =	shalt  }
0x5b: {  	_ =	shalt  }
0x5c: {  	_ =	shalt  }
0x5d: {  	_ =	shalt  }
0x5e: {  	_ =	shalt  }
0x5f: {  	_ =	shalt  }
0x60: {  	_ =	shalt  }
0x61: {  	_ =	shalt  }
0x62: {  	_ =	shalt  }
0x63: {  	_ =	shalt  }
0x64: {  	_ =	shalt  }
0x65: {  	_ =	shalt  }
0x66: {  	_ =	shalt  }
0x67: {  	_ =	shalt  }
0x68: {  	_ =	shalt  }
0x69: {  	_ =	shalt  }
0x6a: {  	_ =	shalt  }
0x6b: {  	_ =	shalt  }
0x6c: {  	_ =	shalt  }
0x6d: {  	_ =	shalt  }
0x6e: {  	_ =	shalt  }
0x6f: {  	_ =	shalt  }
0x70: {  	_ =	shalt  }
0x71: {  	_ =	shalt  }
0x72: {  	_ =	shalt  }
0x73: {  	_ =	shalt  }
0x74: {  	_ =	shalt  }
0x75: {  	_ =	shalt  }
0x76: {  	_ =	shalt  }
0x77: {  	_ =	shalt  }
0x78: {  	_ =	shalt  }
0x79: {  	_ =	shalt  }
0x7a: {  	_ =	shalt  }
0x7b: {  	_ =	shalt  }
0x7c: {  	_ =	shalt  }
0x7d: {  	_ =	shalt  }
0x7e: {  	_ =	shalt  }
0x7f: {  	_ =	shalt  }
0x80: {  	_ =	shalt  }
0x81: {  	_ =	shalt  }
0x82: {  	_ =	shalt  }
0x83: {  	_ =	shalt  }
0x84: {  	_ =	shalt  }
0x85: {  	_ =	shalt  }
0x86: {  	_ =	shalt  }
0x87: {  	_ =	shalt  }
.Lfunc_end0:
.L_simem_size_0:
called_computation_lowered:
.L_overlay_start_0:
0x88: {  	s2 =	sld [smem:$0x3FD9]  }
0x89: {  	s3 =	sld [smem:$0x3FFE];
	_ =	sdelay $0x1  }
0x8a: {  	s1 =	srdreg.scid  }
0x8b: {  	s0 =	sand.u32 $0x1, s1  }
0x8c: {  	s16 =	sshll.u32 s0, $0xA;
	s2 =	sadd.s32 s3, s2  }
0x8d: {  	s2 =	sadd.s32 s2, s16  }
0x8e: {  	[smem:$0x3FC0] =	sst s2  }
0x8f: {  	_ = 	snop  }
0x90: {  	(tm) =	ssettm $0x1  }
0x91: {  	s17 =	sld [smem:$0x3FFB];
	_ =	sdelay $0x3  }
0x92: {  	_ =	strace s17  }
0x93: {  	s2 =	sld [smem:$0x3FFC];
	_ =	sdelay $0x3  }
0x94: {  	_ =	strace s2  }
0x95: {  	s2 =	sld [smem:$0x3FFD];
	_ =	sdelay $0x3  }
0x96: {  	_ =	strace s2  }
0x97: {  	_ =	strace $0x8FFFFFFF  }
0x98: {  	s18 =	sld [smem:$0x3FDB];
	_ =	sdelay $0x1  }
0x99: {  	s19 =	simm.s32 $_scs_section_size  }
0x9a: {  	s4 =	simm.s32 $_size__tile_overlayer_lowered;
	s5 =	simm.s32 $_tile_overlayer_lowered  }
0x9b: {  	s22 =	simm.s32 $0x1BFF;
	s21 =	sshll.u32 s5, $0x1;
	s2 =	sadd.s32 s19, s18  }
0x9c: {  	s6 =	simm.s32 $0x0;
	s20 =	sshll.u32 s4, $0x1;
	s4 =	sadd.s32 s21, s2  }
0x9d: {  	[timem:s6], [sflag:s22] =	dma.local [hbm:s4], s20  }
0x9e: {  	_ =	swait.ge [sflag:s22], s20  }
0x9f: {  	s3 =	ssub.s32 $0x0, s20;
	[sflag:s22] =	ssyncset.done $0x0  }
0xa0: {  	[sflag:s22] =	ssyncadd.s32 s3;
	_ =	sdelay $0x1  }
0xa1: {  	s23 =	simm.s32 $0x1B8B  }
0xa2: {  	_ =	swait.ge [sflag:s23], $0x1  }
0xa3: {  	[sflag:s23] =	ssyncset.done $0x0  }
0xa4: {  	s25 =	simm.s32 $0x1B8E;
	s24 =	sld [smem:$0x3FFE];
	[sflag:s23] =	ssyncadd.s32 $0xFFFFFFFF  }
0xa5: {  	s26 =	simm.s32 $execute0_lowered;
	[smem:$0x3FD2] =	sst s25  }
0xa6: {  	s4 =	sshll.u32 s26, $0x1;
	_ =	strace $0x80000046;
	[dreg:$0x1] =	wrdreg $0xFFFFFFFF  }
0xa7: {  	s28 =	simm.s32 $_size_execute0_lowered;
	s2 =	sadd.s32 s2, s4;
	[dreg:$0x0] =	wrdreg $0x0  }
0xa8: {  	s4 =	sshll.u32 s28, $0x1;
	[dreg:$0x2] =	wrdreg s2  }
0xa9: {  	[dreg:$0x3] =	wrdreg s4  }
0xaa: {  	[dreg:$0x4] =	wrdreg $0xC0  }
0xab: {  	_ =	task [dreg:s6], $0x5FFFF  }
0xac: {  	[dreg:$0x1] =	wrdreg $0xFFFFFFFF  }
0xad: {  	[dreg:$0x0] =	wrdreg $0x60  }
0xae: {  	[dreg:$0x2] =	wrdreg s24  }
0xaf: {  	[dreg:$0x3] =	wrdreg $0x160000  }
0xb0: {  	[dreg:$0x4] =	wrdreg $0x9  }
0xb1: {  	_ =	task.clear_ibuf [dreg:s6], $0x5FFFF;
	_ =	strace $0x90000046  }
0xb2: {  	s29 =	simm.s32 $0x9;
	_ =	strace $0x80000048  }
0xb3: {  	_ =	swait.ge [sflag:s29], $0x1  }
0xb4: {  	[sflag:s29] =	ssyncadd.s32 $0xFFFFFFFF  }
0xb5: {  	_ =	strace $0x90000048  }
0xb6: {  	_ =	sfence  }
0xb7: {  	s30 =	sld [smem:$0x0];
	_ =	sdelay $0x2  }
0xb8: {  	s31 =	sshll.u32 s1, $0xD;
	s1 =	sshrl.u32 s1, $0x2  }
0xb9: {  	s3 =	sand.u32 $0x4000, s31;
	s1 =	sadd.s32 s1, s30  }
0xba: {  	s0 =	sor.u32 s3, s0;
	s1 =	sshll.u32 s1, $0x11  }
0xbb: {  	s0 =	sor.u32 s1, s0  }
0xbc: {  	s0 =	sadd.s32 $0x8F2B, s0  }
0xbd: {  	[sflag:s0] =	ssyncadd.remote.s32 $0x1  }
0xbe: {  	_ =	sfence.sel $0xFFFF  }
0xbf: {  	[dreg:$0x0] =	wrdreg $0xFFFFFFFF;
	(pc) =	sbr.abs _section_cstart, $3  }
0xc0: {  	[dreg:$0x1] =	wrdreg $0xFFFFFFFF  }
0xc1: {  	_ =	task.clear_ibuf [dreg:s6], $0x2FFFF;
	_ =	strace $0x9FFFFFFF  }
0xc2: {  	(tm) =	ssettm $0x7FFFFFFF  }
0xc3: {  	_ =	shalt  }
tec
execute0_lowered:
.L_overlay_start_1:
0x0: {  	(tag) =	ssettag $0x1  }
0x1: {  	s7 =	rddreg [dreg:$0x0]  }
0x2: {  	s1 =	rddreg [dreg:$0x1]  }
0x3: {  	s0 =	rddreg [dreg:$0x2];
	s2 =	simm.s32 $0x0  }
0x4: {  	s3 =	srdreg.scid;
	s14 =	simm.s32 $0x1;
	s15 =	simm.s32 $0xC000  }
0x5: {  	s16 =	simm.s32 $0x80;
	s17 =	simm.s32 $0x14000;
	s18 =	simm.s32 $0x0  }
0x6: {  	[smem:$0x7FF] =	sst s2;
	s8 =	sand.u32 $0x1, s3;
	s3 =	stileid.u32  }
0x7: {  	s4 =	sadd.s32 $0x30000, s7;
	_ =	strace $0x80000047;
	s5 =	ssub.s32 $0x2, s8  }
0x8: {  	s6 =	sshll.u32 s3, $0xA;
	s26 =	sshll.u32 s3, $0xF;
	s28 =	sshll.u32 s3, $0xC  }
0x9: {  	s29 =	sshll.u32 s8, $0xF;
	s11 =	sshll.u32 s3, $0xB;
	s30 =	sshll.u32 s3, $0x6  }
0xa: {  	s13 =	sshll.u32 s8, $0xE;
	s9 =	sshrl.u32 s5, $0x1;
	s10 =	sadd.s32 s6, s7  }
0xb: {  	s6 =	sadd.s32 s4, s28;
	s8 =	sor.u32 $0x1C01, s30;
	s12 =	ssub.s32 s5, s9  }
0xc: {  	v2 =	vlaneseq.u32;
	s5 =	sadd.s32 s26, s1;
	s9 =	sor.u32 s11, s29;
	s31 =	sadd.s32 s13, s10  }
0xd: {  	v1 =	vshrl.u32 v2, $0x1;
	s7 =	sadd.s32 s7, s9;
	s11 =	sadd.s32 $0x40000, s31;
	s12 =	smax.u32 s12, $0x1  }
0xe: {  	v0 =	vmul.u32 $0x8, v2;
	v2 =	vand.u32 $0x1, v2;
	v1 =	vmul.u32 $0x8, v1;
	s13 =	sshrl.u32 s5, $0x3;
	s9 =	sadd.s32 $0x20000, s7;
	s10 =	sadd.s32 $0x10000, s7  }
.LBB2_1:
0xf: {  	[spmem:s13], [sflag:s8] =	dma.local [hbm:s6], $0x1000  }
0x10: {  	_ =	swait.ge [sflag:s14], $0x1000  }
0x11: {  	[sflag:s14] =	ssyncset.done $0x0  }
0x12: {  	[sflag:s14] =	ssyncadd.s32 $0xFFFFF000  }
0x13: {  	[tilespmem:s2], [sflag:$0x1] =	stream.linear.gather [hbm4b:s9+s2], $0x4000, $0x38;
	[tilespmem:$0x1E000] =	vst v63  }
0x14: {  	_ =	swait.ge [sflag:s14], $0x4000  }
0x15: {  	[sflag:s14] =	ssyncset.done $0x0  }
0x16: {  	s19 =	simm.s32 $0x4000;
	[sflag:s14] =	ssyncadd.s32 $0xFFFFC000  }
0x17: {  	[tilespmem:s19], [sflag:$0x1] =	stream.linear.gather [hbm4b:s7+s2], $0x4000, $0x38;
	[tilespmem:$0x1E000] =	vst v63  }
0x18: {  	_ =	swait.ge [sflag:s14], $0x4000  }
0x19: {  	[sflag:s14] =	ssyncset.done $0x0  }
0x1a: {  	s20 =	simm.s32 $0x8000;
	[sflag:s14] =	ssyncadd.s32 $0xFFFFC000  }
0x1b: {  	[tilespmem:s20], [sflag:$0x1] =	stream.linear.gather [hbm4b:s10+s2], $0x4000, $0x38;
	[tilespmem:$0x1E000] =	vst v63  }
0x1c: {  	_ =	swait.ge [sflag:s14], $0x4000  }
0x1d: {  	[sflag:s14] =	ssyncset.done $0x0  }
0x1e: {  	[sflag:s14] =	ssyncadd.s32 $0xFFFFC000  }
0x1f: {  	[tilespmem:s15], [sflag:$0x1] =	stream.linear.gather [hbm4b:s4+s2], $0x8000, $0x38;
	[tilespmem:$0x1E000] =	vst v63  }
0x20: {  	_ =	swait.ge [sflag:s14], $0x8000  }
0x21: {  	[sflag:s14] =	ssyncset.done $0x0  }
0x22: {  	[sflag:s14] =	ssyncadd.s32 $0xFFFF8000  }
0x23: {  	s21 =	simm.s32 $0x0;
	s22 =	simm.s32 $0x0;
	[bflag:$0x0] =	sbarrier.arrive $0xFFFF  }
.LBB2_2:
0x24: {  	s23 =	simm.s32 $0x0  }
0x25: {  	v3 =	vmov s23  }
0x26: {  	v3 =	vshll.u32 v3, $0x3  }
0x27: {  	v6 =	vld [tilespmem:s19+$0x0];
	v7 =	vor.u32 v0, v3  }
0x28: {  	v3 =	vld [tilespmem:s20+$0x0];
	v4 =	vor.u32 $0x1, v7;
	_ =	sdelay $0x2  }
0x29: {  	s24 =	simm.s32 $0x10;
	s23 =	simm.s32 $0xC000  }
0x2a: {  	s26 =	simm.s32 $0x20;
	s25 =	smov.u32 s19;
	v5 =	vmov s24;
	s24 =	smov.u32 s20;
	[tilespmem:v7+s23+$0x0] =	vst.idx.msk $0xffff, v6  }
.LBB2_3:
0x2b: {  	p0 =	sne.s32 s26, $0xFF0;
	v5 =	vshll.u32 v5, $0x3;
	[tilespmem:v4+s23+$0x0] =	vst.idx.msk $0xffff, v3;
	s25 =	sadd.s32 $0x10, s25  }
0x2c: {  	s24 =	sadd.s32 $0x10, s24;
	v6 =	vld [tilespmem:s25+$0x0];
	v7 =	vor.u32 v0, v5  }
.Ltmp0:
0x2d: {  	v3 =	vld [tilespmem:s24+$0x0];
	v4 =	vor.u32 $0x1, v7;
	(pc) =	sbr.rel @p0 .LBB2_3-.Ltmp0, $2  }
0x2e: {  	_ =	sdelay $0x2  }
0x2f: {  	v5 =	vmov s26;
	s26 =	sadd.s32 $0x10, s26;
	[tilespmem:v7+s23+$0x0] =	vst.idx.msk $0xffff, v6  }
0x30: {  	_ =	sdelay $0x3  }
0x31: {  	v5 =	vshll.u32 v5, $0x3;
	[tilespmem:v4+s23+$0x0] =	vst.idx.msk $0xffff, v3;
	s29 =	sadd.s32 $0x10, s25  }
0x32: {  	s30 =	sadd.s32 $0x10, s24;
	v3 =	vld [tilespmem:s29+$0x0];
	v62 =	vor.u32 v0, v5  }
0x33: {  	v63 =	vld [tilespmem:s30+$0x0];
	v6 =	vor.u32 $0x1, v62;
	_ =	sdelay $0x2  }
0x34: {  	s23 =	simm.s32 $0xC000  }
0x35: {  	[tilespmem:v62+s23+$0x0] =	vst.idx.msk $0xffff, v3  }
0x36: {  	s31 =	sadd.s32 $0x0, s21;
	[tilespmem:v6+s23+$0x0] =	vst.idx.msk $0xffff, v63  }
0x37: {  	[spmem:s1] =	stream.indirect.scatter.add.f32 [tilespmem:s23], [sflag:$0x1], $0x8, s31, s16, $0xb8;
	[tilespmem:$0x1E000] =	vst v63  }
0x38: {  	s24 =	simm.s32 $0x200;
	_ =	swait.ge [sflag:s14], $0x400  }
.LBB2_5:
0x39: {  	s25 =	sshra.s32 s24, $0x2  }
0x3a: {  	[sflag:s14] =	ssyncset.done $0x0;
	s23 =	sadd.s32 $0x400, s23;
	p0 =	sne.s32 s24, $0x3E00  }
.Ltmp1:
0x3b: {  	s25 =	sadd.s32 s25, s21;
	[sflag:s14] =	ssyncadd.s32 $0xFFFFFC00;
	(pc) =	sbr.rel @p0 .LBB2_5-.Ltmp1, $3  }
0x3c: {  	[spmem:s1] =	stream.indirect.scatter.add.f32 [tilespmem:s23], [sflag:$0x1], $0x8, s25, s16, $0xb8;
	[tilespmem:$0x1E000] =	vst v63  }
0x3d: {  	s24 =	sadd.s32 $0x200, s24;
	_ =	sdelay $0x1  }
0x3e: {  	_ =	swait.ge [sflag:s14], $0x400  }
0x3f: {  	s22 =	sadd.s32 $0x1, s22  }
0x40: {  	p0 =	sne.s32 s22, $0x4  }
.Ltmp2:
0x41: {  	_ = 	snop;
	(pc) =	sbr.rel @p0 .LBB2_2-.Ltmp2, $3  }
0x42: {  	_ =	sdelay $0x1  }
0x43: {  	[sflag:s14] =	ssyncset.done $0x0;
	s20 =	sadd.s32 $0x1000, s20  }
0x44: {  	s19 =	sadd.s32 $0x1000, s19;
	s21 =	sadd.s32 $0x1000, s21;
	[sflag:s14] =	ssyncadd.s32 $0xFFFFFC00  }
0x45: {  	s19 =	simm.s32 $0x0  }
0x46: {  	v3 =	vmov s19  }
0x47: {  	v3 =	vshll.u32 v3, $0x3  }
0x48: {  	v3 =	vor.u32 v1, v3  }
0x49: {  	[bflag:$0x0] =	sbarrier.arrive $0xFFFF;
	v3 =	vor.u32 v2, v3  }
0x4a: {  	[tilespmem:s15], [sflag:$0x1] =	stream.linear.gather [spmem:s5], $0x8000, $0x38;
	[tilespmem:$0x1E000] =	vst v63  }
0x4b: {  	_ =	swait.ge [sflag:s14], $0x8000  }
0x4c: {  	[sflag:s14] =	ssyncset.done $0x0  }
0x4d: {  	s31 =	simm.s32 $0x8;
	[sflag:s14] =	ssyncadd.s32 $0xFFFF8000  }
0x4e: {  	v5 =	vld.idx.msk [tilespmem:v3+s15+$0x0], $0xffff;
	v3 =	vmov s31  }
0x4f: {  	v3 =	vshll.u32 v3, $0x3  }
0x50: {  	v3 =	vor.u32 v1, v3  }
0x51: {  	v3 =	vor.u32 v2, v3;
	_ =	sdelay $0x2  }
0x52: {  	s20 =	simm.s32 $0x10;
	s19 =	simm.s32 $0x14000  }
0x53: {  	v4 =	vmov s20;
	s20 =	simm.s32 $0x18;
	[tilespmem:s19+$0x0] =	vst v5  }
.LBB2_8:
0x54: {  	p0 =	sne.s32 s20, $0xFF8;
	v4 =	vshll.u32 v4, $0x3;
	v5 =	vld.idx.msk [tilespmem:v3+s15+$0x0], $0xffff  }
0x55: {  	v3 =	vor.u32 v1, v4  }
.Ltmp3:
0x56: {  	v3 =	vor.u32 v2, v3;
	(pc) =	sbr.rel @p0 .LBB2_8-.Ltmp3, $3  }
0x57: {  	_ =	sdelay $0x1  }
0x58: {  	s19 =	sadd.s32 $0x10, s19  }
0x59: {  	v4 =	vmov s20;
	s20 =	sadd.s32 $0x8, s20;
	[tilespmem:s19+$0x0] =	vst v5  }
0x5a: {  	_ =	sdelay $0x2  }
0x5b: {  	v4 =	vshll.u32 v4, $0x3  }
0x5c: {  	v3 =	vld.idx.msk [tilespmem:v3+s15+$0x0], $0xffff;
	v4 =	vor.u32 v1, v4  }
0x5d: {  	v4 =	vor.u32 v2, v4;
	_ =	sdelay $0x2  }
0x5e: {  	s19 =	sadd.s32 $0x10, s19  }
0x5f: {  	[tilespmem:s19+$0x0] =	vst v3  }
0x60: {  	v3 =	vld.idx.msk [tilespmem:v4+s15+$0x0], $0xffff;
	_ =	sdelay $0x2  }
0x61: {  	s18 =	sadd.s32 $0x1, s18  }
0x62: {  	p0 =	sne.s32 s18, s12;
	s19 =	sadd.s32 $0x10, s19  }
.Ltmp4:
0x63: {  	[tilespmem:s19+$0x0] =	vst v3;
	(pc) =	sbr.rel @p0 .LBB2_1-.Ltmp4, $4  }
0x64: {  	[hbm4b:s11+s2] =	stream.linear.scatter [tilespmem:s17], [sflag:$0x1], $0x2000, $0x38;
	[tilespmem:$0x1E000] =	vst v63  }
0x65: {  	_ =	swait.ge [sflag:s14], $0x2000  }
0x66: {  	[sflag:s14] =	ssyncset.done $0x0  }
0x67: {  	[sflag:s14] =	ssyncadd.s32 $0xFFFFE000  }
0x68: {  	_ =	sfence.sel $0x180000  }
0x69: {  	[bflag:$0x0] =	sbarrier.arrive $0xFFFF  }
0x6a: {  	p0 =	sne.s32 s3, $0x0;
	_ =	strace $0x90000047  }
0x6b: {  	s0 =	sadd.s32 @!p0 $0x100000, s0;
	[bflag:$0x2] =	sbarrier.arrive $0xFFFF  }
0x6c: {  	[sflag:s0] =	ssyncadd.tile.s32 @!p0 $0x1;
	_ =	shalt  }
.Lfunc_end2:
_tile_overlayer_lowered:
.L_overlay_start_2:
0x6d: {  	(tag) =	ssettag $0x2  }
0x6e: {  	s0 =	rddreg [dreg:$0x0];
	s2 =	stileid.u32  }
0x6f: {  	s1 =	rddreg [dreg:$0x1];
	p0 =	sne.s32 s2, $0x0  }
0x70: {  	s3 =	rddreg [dreg:$0x2];
	[bflag:$0x3] =	sbarrier.arrive $0xFFFF;
	s2 =	simm.s32 @!p0 $0x1C01  }
0x71: {  	[timem:s3], [sflag:s2] =	dma.local @!p0 [hbm:s0], s1  }
0x72: {  	s0 =	simm.s32 @!p0 $0x1  }
0x73: {  	_ =	swait.ge @!p0 [sflag:s0], s1  }
0x74: {  	s1 =	ssub.s32 @!p0 $0x0, s1;
	[sflag:s0] =	ssyncset.done @!p0 $0x0  }
0x75: {  	[sflag:s0] =	ssyncadd.s32 @!p0 s1  }
0x76: {  	[bflag:$0x3] =	sbarrier.arrive $0xFFFF  }
0x77: {  	_ =	shalt  }

</sc_bundles>
